<compile_context>
chip_gen: v7x
topology: tpu7x:2x2x1
jax: 0.10.2.dev20260603
libtpu: 0.0.44.dev20260713+nightly
codegen_flags: <defaults>
</compile_context>

<pallas_src>
import functools

import jax
import jax.numpy as jnp
from jax import lax
from jax.experimental import pallas as pl
from jax.experimental.pallas import tpu as pltpu
from jax.experimental.pallas import tpu_sc as plsc

_NBINS = 15
_C = 100
_CHUNK = 160
_LANES = 16
_NW = 32
_NT = 44000
_RT = 2000



def _sc_body(c0, nchunks, logits_ref, labels_ref,
             cnt_out, cnf_out, acc_out, nin_out, ncor_out,
             buf, labbuf, cnt, cnf, acc, nin, ncor):
    wid = lax.axis_index("s") * 2 + lax.axis_index("c")
    iota = lax.iota(jnp.int32, _LANES)
    ones = jnp.ones((_LANES,), jnp.float32)
    zeros = jnp.zeros((_LANES,), jnp.float32)
    lane0 = iota == 0
    mall = iota < _LANES
    m6 = iota >= 12

    def _zero_row(r, carry):
        sl = pl.ds(r * _LANES, _LANES)
        cnt[sl] = zeros
        cnf[sl] = zeros
        acc[sl] = zeros
        return carry
    lax.fori_loop(0, _NBINS * 8, _zero_row, 0)
    for lq in range(8):
        sl = pl.ds(lq * _LANES, _LANES)
        nin[sl] = zeros
        ncor[sl] = zeros

    def _scat_add(ref, idx, x, mask):
        plsc.addupdate_scatter(ref, [idx], x, mask=mask)

    def _shuf(x, k):
        return x.at[iota ^ k].get(mode="promise_in_bounds")

    def _allreduce(x, op):
        for k in (8, 4, 2, 1):
            x = op(x, _shuf(x, k))
        return x

    def _do_row(r, carry):
        v = [buf[r, pl.ds(16 * j, _LANES)] for j in range(6)]
        v6 = buf[r, pl.ds(84, _LANES)]
        mm = v[0]
        for j in range(1, 6):
            mm = jnp.maximum(mm, v[j])
        mm = jnp.maximum(mm, v6)
        mvec = _allreduce(mm, jnp.maximum)
        e = [jnp.exp(vj - mvec) for vj in v]
        e6 = jnp.exp(v6 - mvec)
        ssum = e[0]
        for j in range(1, 6):
            ssum = ssum + e[j]
        ssum = ssum + jnp.where(m6, e6, zeros)
        svec = _allreduce(ssum, jnp.add)
        p = [ej / svec for ej in e]
        p6 = e6 / svec
        pmax = ones / svec
        tmin = jnp.full((_LANES,), 1000, jnp.int32)
        for j in range(6):
            tmin = jnp.minimum(tmin, jnp.where(p[j] == pmax, iota + 16 * j, 1000))
        tmin = jnp.minimum(tmin, jnp.where((p6 == pmax) & m6, iota + 84, 1000))
        choice = _allreduce(tmin, jnp.minimum)

        for j in range(6):
            u = jnp.minimum((p[j] * 15.0).astype(jnp.int32), 14)
            idx = (u << 7) + (iota + 16 * j)
            _scat_add(cnt, idx, ones, mall)
            _scat_add(cnf, idx, p[j], mall)
        u6 = jnp.minimum((p6 * 15.0).astype(jnp.int32), 14)
        idx6 = (u6 << 7) + (iota + 84)
        _scat_add(cnt, idx6, ones, m6)
        _scat_add(cnf, idx6, p6, m6)

        rb = jnp.minimum(r, _CHUNK - _LANES)
        lv = labbuf[pl.ds(rb, _LANES)]
        lab_vec = lv.at[jnp.full((_LANES,), r - rb)].get(
            mode="promise_in_bounds")
        vlab = plsc.load_gather(buf, [jnp.full((_LANES,), r), lab_vec])
        conf_lab = jnp.exp(vlab - mvec) / svec
        ulab = jnp.minimum((conf_lab * 15.0).astype(jnp.int32), 14)
        _scat_add(acc, (ulab << 7) + lab_vec, ones, lane0)
        _scat_add(nin, lab_vec, ones, lane0)
        eq_vec = jnp.where(choice == lab_vec, 1.0, 0.0).astype(jnp.float32)
        _scat_add(ncor, lab_vec, eq_vec, lane0)
        return carry

    def _chunk_iter(j, carry):
        c = c0 + wid + _NW * j

        @pl.when(c < nchunks)
        def _():
            pltpu.sync_copy(logits_ref.at[c], buf)
            pltpu.sync_copy(labels_ref.at[c], labbuf)
            lax.fori_loop(0, _CHUNK, _do_row, 0)
        return carry
    njw = (nchunks - c0 + _NW - 1) // _NW
    lax.fori_loop(0, njw, _chunk_iter, 0)

    pltpu.sync_copy(cnt, cnt_out.at[wid])
    pltpu.sync_copy(cnf, cnf_out.at[wid])
    pltpu.sync_copy(acc, acc_out.at[wid])
    pltpu.sync_copy(nin, nin_out.at[wid])
    pltpu.sync_copy(ncor, ncor_out.at[wid])



def _tc_hist_body(nblocks, logits_ref, labels_ref, bs_ref, bv_ref,
                  g_out, s_out, a_out):
    i = pl.program_id(0)
    R, C = logits_ref.shape
    x = logits_ref[...]
    m = jnp.max(x, axis=1, keepdims=True)
    e = jnp.exp(x - m)
    p = e / jnp.sum(e, axis=1, keepdims=True)

    lab = labels_ref[...]
    iota = lax.broadcasted_iota(jnp.int32, (R, C), 1)
    lab_oh = (iota == lab).astype(jnp.float32)

    pm = jnp.max(p, axis=1, keepdims=True)
    choice = jnp.min(jnp.where(p == pm, iota, C), axis=1, keepdims=True)
    eqf = (choice == lab).astype(jnp.float32)

    conf_lab = jnp.sum(p * lab_oh, axis=1, keepdims=True)
    bv = bv_ref[...]
    ecat = jnp.concatenate(
        [(conf_lab > bv).astype(jnp.float32), eqf, jnp.ones_like(eqf)],
        axis=1)
    a_blk = lax.dot_general(ecat, lab_oh, (((0,), (0,)), ((), ())),
                            preferred_element_type=jnp.float32)

    p3 = p.reshape(R // 8, 8, C)
    glist, slist = [], []
    for k in range(_NBINS):
        t = bs_ref[0, k]
        mk = p3 > t
        glist.append(jnp.sum(mk.astype(jnp.float32), axis=0))
        slist.append(jnp.sum(jnp.where(mk, p3, 0.0), axis=0))
    g_blk = jnp.concatenate(glist, axis=0)
    s_blk = jnp.concatenate(slist, axis=0)

    @pl.when(i == 0)
    def _init():
        g_out[...] = jnp.zeros_like(g_out)
        s_out[...] = jnp.zeros_like(s_out)
        a_out[...] = jnp.zeros_like(a_out)

    g_out[...] += g_blk
    s_out[...] += s_blk
    a_out[...] += a_blk



def _fin_body(nrows, g_ref, s_ref, a_ref,
              cnts_ref, cnfs_ref, accs_ref, nins_ref, ncors_ref,
              sce_ref, cacc_ref):
    gm = jnp.sum(g_ref[...].reshape(_NBINS, 8, _C), axis=1)
    sm = jnp.sum(s_ref[...].reshape(_NBINS, 8, _C), axis=1)
    am = a_ref[...]
    zrow = jnp.zeros((1, _C), jnp.float32)
    cnt_sc = jnp.sum(cnts_ref[...], axis=0)[:, :_C]
    cnf_sc = jnp.sum(cnfs_ref[...], axis=0)[:, :_C]
    acc_sc = jnp.sum(accs_ref[...], axis=0)[:, :_C]
    nin_sc = jnp.sum(nins_ref[...], axis=0, keepdims=True)[:, :_C]
    ncor_sc = jnp.sum(ncors_ref[...], axis=0, keepdims=True)[:, :_C]

    counts = gm - jnp.concatenate([gm[1:, :], zrow], axis=0) + cnt_sc
    confs = sm - jnp.concatenate([sm[1:, :], zrow], axis=0) + cnf_sc
    accn = am[0:_NBINS, :] - am[1:_NBINS + 1, :] + acc_sc
    ncor = am[_NBINS + 1:_NBINS + 2, :] + ncor_sc
    nin = am[_NBINS + 2:_NBINS + 3, :] + nin_sc

    prop = counts / float(nrows)
    safe = jnp.maximum(counts, 1.0)
    contrib = jnp.where(counts > 0.0,
                        jnp.abs(confs / safe - accn / safe) * prop, 0.0)
    sce_ref[...] = jnp.sum(contrib, axis=0, keepdims=True)
    cacc_ref[...] = ncor / nin


def kernel(logits, labels):
    N, C = logits.shape
    nchunks = N // _CHUNK
    c0 = _NT // _CHUNK
    logits_sc = logits.reshape(nchunks, _CHUNK, C)
    labels_sc = labels.reshape(nchunks, _CHUNK)

    mesh = plsc.VectorSubcoreMesh(core_axis_name="c", subcore_axis_name="s")
    sck = functools.partial(
        pl.kernel,
        mesh=mesh,
        compiler_params=pltpu.CompilerParams(needs_layout_passes=False),
        out_type=[
            jax.ShapeDtypeStruct((_NW, _NBINS * 128), jnp.float32),
            jax.ShapeDtypeStruct((_NW, _NBINS * 128), jnp.float32),
            jax.ShapeDtypeStruct((_NW, _NBINS * 128), jnp.float32),
            jax.ShapeDtypeStruct((_NW, 128), jnp.float32),
            jax.ShapeDtypeStruct((_NW, 128), jnp.float32),
        ],
        scratch_types=[
            pltpu.VMEM((_CHUNK, _C), jnp.float32),
            pltpu.VMEM((_CHUNK,), jnp.int32),
            pltpu.VMEM((_NBINS * 128,), jnp.float32),
            pltpu.VMEM((_NBINS * 128,), jnp.float32),
            pltpu.VMEM((_NBINS * 128,), jnp.float32),
            pltpu.VMEM((128,), jnp.float32),
            pltpu.VMEM((128,), jnp.float32),
        ],
    )(functools.partial(_sc_body, c0, nchunks))
    cnt, cnf, acc, nin, ncor = sck(logits_sc, labels_sc)
    cnt = cnt.reshape(_NW, _NBINS, 128)
    cnf = cnf.reshape(_NW, _NBINS, 128)
    acc = acc.reshape(_NW, _NBINS, 128)

    nblocks = _NT // _RT
    bounds = jnp.linspace(0.0, 1.0, _NBINS + 1).reshape(1, _NBINS + 1)
    labels_tc = labels.reshape(N, 1)

    g, s, a = pl.pallas_call(
        functools.partial(_tc_hist_body, nblocks),
        grid=(nblocks,),
        in_specs=[
            pl.BlockSpec((_RT, C), lambda i: (i, 0)),
            pl.BlockSpec((_RT, 1), lambda i: (i, 0)),
            pl.BlockSpec(memory_space=pltpu.SMEM),
            pl.BlockSpec((1, _NBINS + 1), lambda i: (0, 0)),
        ],
        out_specs=[
            pl.BlockSpec((_NBINS * 8, C), lambda i: (0, 0)),
            pl.BlockSpec((_NBINS * 8, C), lambda i: (0, 0)),
            pl.BlockSpec((_NBINS + 3, C), lambda i: (0, 0)),
        ],
        out_shape=[
            jax.ShapeDtypeStruct((_NBINS * 8, C), jnp.float32),
            jax.ShapeDtypeStruct((_NBINS * 8, C), jnp.float32),
            jax.ShapeDtypeStruct((_NBINS + 3, C), jnp.float32),
        ],
    )(logits, labels_tc, bounds, bounds)

    out = pl.pallas_call(
        functools.partial(_fin_body, N),
        out_shape=[
            jax.ShapeDtypeStruct((1, C), jnp.float32),
            jax.ShapeDtypeStruct((1, C), jnp.float32),
        ],
    )(g, s, a, cnt, cnf, acc, nin, ncor)
    return (out[0].reshape(C), out[1].reshape(C))

# --- scband reference (transcript-rebuilt; emitter-appended) ---
"""Pipeline reference for scband-class-eceloss-47923245089173 (READ-ONLY COPY).

The authoritative reference and input builder live on the scoring server;
editing this copy changes nothing except your own understanding.
"""

import jax, jax.numpy as jnp
import numpy as np

N_BINS = 15


def setup_inputs(seed: int = 0) -> dict:
    key = jax.random.key(seed)
    k1, k2 = jax.random.split(key)
    logits = jax.random.normal(k1, (100000, 100), dtype=jnp.float32)
    labels = jax.random.randint(k2, (100000,), 0, 100, dtype=jnp.int32)
    return {"logits": logits, "labels": labels}


def reference(logits, labels):
    bin_boundaries = jnp.linspace(0.0, 1.0, N_BINS + 1)
    bin_lowers = bin_boundaries[:-1]
    bin_uppers = bin_boundaries[1:]
    num_classes = logits.shape[1]
    softmaxes = jax.nn.softmax(logits, axis=1)
    choices = jnp.argmax(softmaxes, axis=1)
    N = logits.shape[0]
    per_class_sce = []
    classes_acc = []
    for i in range(num_classes):
        class_confidences = softmaxes[:, i]
        labels_in_class = (labels == i)
        n_in_class = jnp.sum(labels_in_class)
        n_correct = jnp.sum((choices == i) & labels_in_class)
        class_accuracy = n_correct.astype(jnp.float32) / n_in_class.astype(jnp.float32)
        # vectorized over bins; math identical to the per-bin torch loop
        in_bin = (class_confidences[None, :] > bin_lowers[:, None]) & (class_confidences[None, :] <= bin_uppers[:, None])
        counts = jnp.sum(in_bin, axis=1)
        prop_in_bin = counts.astype(jnp.float32) / float(N)
        safe_counts = jnp.maximum(counts, 1).astype(jnp.float32)
        accuracy_in_bin = jnp.sum(in_bin.astype(jnp.float32) * labels_in_class[None, :].astype(jnp.float32), axis=1) / safe_counts
        avg_confidence_in_bin = jnp.sum(in_bin.astype(jnp.float32) * class_confidences[None, :], axis=1) / safe_counts
        contrib = jnp.where(counts > 0, jnp.abs(avg_confidence_in_bin - accuracy_in_bin) * prop_in_bin, 0.0)
        per_class_sce.append(jnp.sum(contrib))
        classes_acc.append(class_accuracy)
    return (jnp.stack(per_class_sce), jnp.stack(classes_acc))

if __name__ == "__main__":
    import jax
    _d = setup_inputs()
    print(jax.jit(kernel)(*tuple(_d.values())))

</pallas_src>

<mosaic_0001>
#map = affine_map<(d0, d1) -> (0, 0, 0)>
#map1 = affine_map<(d0, d1) -> (0, 0)>
module attributes {stable_mosaic.version = 14 : i64} {
  func.func @_sc_body(%arg0: i32, %arg1: i32, %arg2: memref<625x160x100xf32, #tpu.memory_space<hbm>>, %arg3: memref<625x160xi32, #tpu.memory_space<hbm>>, %arg4: memref<32x1920xf32, #tpu.memory_space<hbm>>, %arg5: memref<32x1920xf32, #tpu.memory_space<hbm>>, %arg6: memref<32x1920xf32, #tpu.memory_space<hbm>>, %arg7: memref<32x128xf32, #tpu.memory_space<hbm>>, %arg8: memref<32x128xf32, #tpu.memory_space<hbm>>, %arg9: memref<160x100xf32, #tpu.memory_space<vmem>>, %arg10: memref<160xi32, #tpu.memory_space<vmem>>, %arg11: memref<1920xf32, #tpu.memory_space<vmem>>, %arg12: memref<1920xf32, #tpu.memory_space<vmem>>, %arg13: memref<1920xf32, #tpu.memory_space<vmem>>, %arg14: memref<128xf32, #tpu.memory_space<vmem>>, %arg15: memref<128xf32, #tpu.memory_space<vmem>>) attributes {dimension_semantics = [#tpu.dimension_semantics<core_parallel>, #tpu.dimension_semantics<subcore_parallel>], iteration_bounds = array<i64: 2, 16>, scalar_prefetch = 0 : i64, scratch_operands = 7 : i64, tpu.core_type = #tpu.core_type<sc_vector_subcore>, window_params = [{transform_indices = #map}, {transform_indices = #map1}, {transform_indices = #map1}, {transform_indices = #map1}, {transform_indices = #map1}, {transform_indices = #map1}, {transform_indices = #map1}]} {
    %mul3A = arith.constant 2 : i32
    %mul3A_0 = arith.muli %arg1, %mul3A : i32
    %add3A = arith.addi %mul3A_0, %arg0 : i32
    %iota3A = tpu.iota {dimensions = array<i32: 0>} : vector<16xi32>
    %broadcast_in_dim3A = arith.constant 1.000000e+00 : f32
    %broadcast_in_dim3A_1 = vector.broadcast %broadcast_in_dim3A : f32 to vector<16xf32>
    %broadcast_in_dim3A_2 = arith.constant 0.000000e+00 : f32
    %broadcast_in_dim3A_3 = vector.broadcast %broadcast_in_dim3A_2 : f32 to vector<16xf32>
    %eq3A = arith.constant 0 : i32
    %eq3A_4 = vector.broadcast %eq3A : i32 to vector<16xi32>
    %eq3A_5 = arith.cmpi eq, %iota3A, %eq3A_4 : vector<16xi32>
    %lt3A = arith.constant 16 : i32
    %lt3A_6 = vector.broadcast %lt3A : i32 to vector<16xi32>
    %lt3A_7 = arith.cmpi slt, %iota3A, %lt3A_6 : vector<16xi32>
    %ge3A = arith.constant 12 : i32
    %ge3A_8 = vector.broadcast %ge3A : i32 to vector<16xi32>
    %ge3A_9 = arith.cmpi sge, %iota3A, %ge3A_8 : vector<16xi32>
    %scan3A = arith.constant 0 : i32
    %scan3A_10 = arith.constant 0 : i32
    %scan3A_11 = arith.constant 120 : i32
    %scan3A_12 = arith.addi %scan3A_10, %scan3A_11 : i32
    %scan3A_13 = arith.constant 1 : i32
    scf.for %scan3A_52 = %scan3A_10 to %scan3A_12 step %scan3A_13  : i32 {
      %mul3A_53 = arith.constant 16 : i32
      %mul3A_54 = arith.muli %scan3A_52, %mul3A_53 : i32
      %swap3A_55 = arith.index_cast %mul3A_54 : i32 to index
      %swap3A_56 = tpu.vector_load %arg11[%swap3A_55] {strides = array<i32>} : memref<1920xf32, #tpu.memory_space<vmem>>, vector<16xf32>,
      tpu.vector_store %arg11[%swap3A_55], %broadcast_in_dim3A_3 {strides = array<i32>} : memref<1920xf32, #tpu.memory_space<vmem>>, vector<16xf32>,
      %swap3A_57 = arith.index_cast %mul3A_54 : i32 to index
      %swap3A_58 = tpu.vector_load %arg12[%swap3A_57] {strides = array<i32>} : memref<1920xf32, #tpu.memory_space<vmem>>, vector<16xf32>,
      tpu.vector_store %arg12[%swap3A_57], %broadcast_in_dim3A_3 {strides = array<i32>} : memref<1920xf32, #tpu.memory_space<vmem>>, vector<16xf32>,
      %swap3A_59 = arith.index_cast %mul3A_54 : i32 to index
      %swap3A_60 = tpu.vector_load %arg13[%swap3A_59] {strides = array<i32>} : memref<1920xf32, #tpu.memory_space<vmem>>, vector<16xf32>,
      tpu.vector_store %arg13[%swap3A_59], %broadcast_in_dim3A_3 {strides = array<i32>} : memref<1920xf32, #tpu.memory_space<vmem>>, vector<16xf32>,
    }
    %scan3A_14 = arith.constant 120 : i32
    %swap3A = arith.constant 0 : index
    %swap3A_15 = tpu.vector_load %arg14[%swap3A] {strides = array<i32>} : memref<128xf32, #tpu.memory_space<vmem>>, vector<16xf32>,
    tpu.vector_store %arg14[%swap3A], %broadcast_in_dim3A_3 {strides = array<i32>} : memref<128xf32, #tpu.memory_space<vmem>>, vector<16xf32>,
    %swap3A_16 = arith.constant 0 : index
    %swap3A_17 = tpu.vector_load %arg15[%swap3A_16] {strides = array<i32>} : memref<128xf32, #tpu.memory_space<vmem>>, vector<16xf32>,
    tpu.vector_store %arg15[%swap3A_16], %broadcast_in_dim3A_3 {strides = array<i32>} : memref<128xf32, #tpu.memory_space<vmem>>, vector<16xf32>,
    %swap3A_18 = arith.constant 16 : index
    %swap3A_19 = tpu.vector_load %arg14[%swap3A_18] {strides = array<i32>} : memref<128xf32, #tpu.memory_space<vmem>>, vector<16xf32>,
    tpu.vector_store %arg14[%swap3A_18], %broadcast_in_dim3A_3 {strides = array<i32>} : memref<128xf32, #tpu.memory_space<vmem>>, vector<16xf32>,
    %swap3A_20 = arith.constant 16 : index
    %swap3A_21 = tpu.vector_load %arg15[%swap3A_20] {strides = array<i32>} : memref<128xf32, #tpu.memory_space<vmem>>, vector<16xf32>,
    tpu.vector_store %arg15[%swap3A_20], %broadcast_in_dim3A_3 {strides = array<i32>} : memref<128xf32, #tpu.memory_space<vmem>>, vector<16xf32>,
    %swap3A_22 = arith.constant 32 : index
    %swap3A_23 = tpu.vector_load %arg14[%swap3A_22] {strides = array<i32>} : memref<128xf32, #tpu.memory_space<vmem>>, vector<16xf32>,
    tpu.vector_store %arg14[%swap3A_22], %broadcast_in_dim3A_3 {strides = array<i32>} : memref<128xf32, #tpu.memory_space<vmem>>, vector<16xf32>,
    %swap3A_24 = arith.constant 32 : index
    %swap3A_25 = tpu.vector_load %arg15[%swap3A_24] {strides = array<i32>} : memref<128xf32, #tpu.memory_space<vmem>>, vector<16xf32>,
    tpu.vector_store %arg15[%swap3A_24], %broadcast_in_dim3A_3 {strides = array<i32>} : memref<128xf32, #tpu.memory_space<vmem>>, vector<16xf32>,
    %swap3A_26 = arith.constant 48 : index
    %swap3A_27 = tpu.vector_load %arg14[%swap3A_26] {strides = array<i32>} : memref<128xf32, #tpu.memory_space<vmem>>, vector<16xf32>,
    tpu.vector_store %arg14[%swap3A_26], %broadcast_in_dim3A_3 {strides = array<i32>} : memref<128xf32, #tpu.memory_space<vmem>>, vector<16xf32>,
    %swap3A_28 = arith.constant 48 : index
    %swap3A_29 = tpu.vector_load %arg15[%swap3A_28] {strides = array<i32>} : memref<128xf32, #tpu.memory_space<vmem>>, vector<16xf32>,
    tpu.vector_store %arg15[%swap3A_28], %broadcast_in_dim3A_3 {strides = array<i32>} : memref<128xf32, #tpu.memory_space<vmem>>, vector<16xf32>,
    %swap3A_30 = arith.constant 64 : index
    %swap3A_31 = tpu.vector_load %arg14[%swap3A_30] {strides = array<i32>} : memref<128xf32, #tpu.memory_space<vmem>>, vector<16xf32>,
    tpu.vector_store %arg14[%swap3A_30], %broadcast_in_dim3A_3 {strides = array<i32>} : memref<128xf32, #tpu.memory_space<vmem>>, vector<16xf32>,
    %swap3A_32 = arith.constant 64 : index
    %swap3A_33 = tpu.vector_load %arg15[%swap3A_32] {strides = array<i32>} : memref<128xf32, #tpu.memory_space<vmem>>, vector<16xf32>,
    tpu.vector_store %arg15[%swap3A_32], %broadcast_in_dim3A_3 {strides = array<i32>} : memref<128xf32, #tpu.memory_space<vmem>>, vector<16xf32>,
    %swap3A_34 = arith.constant 80 : index
    %swap3A_35 = tpu.vector_load %arg14[%swap3A_34] {strides = array<i32>} : memref<128xf32, #tpu.memory_space<vmem>>, vector<16xf32>,
    tpu.vector_store %arg14[%swap3A_34], %broadcast_in_dim3A_3 {strides = array<i32>} : memref<128xf32, #tpu.memory_space<vmem>>, vector<16xf32>,
    %swap3A_36 = arith.constant 80 : index
    %swap3A_37 = tpu.vector_load %arg15[%swap3A_36] {strides = array<i32>} : memref<128xf32, #tpu.memory_space<vmem>>, vector<16xf32>,
    tpu.vector_store %arg15[%swap3A_36], %broadcast_in_dim3A_3 {strides = array<i32>} : memref<128xf32, #tpu.memory_space<vmem>>, vector<16xf32>,
    %swap3A_38 = arith.constant 96 : index
    %swap3A_39 = tpu.vector_load %arg14[%swap3A_38] {strides = array<i32>} : memref<128xf32, #tpu.memory_space<vmem>>, vector<16xf32>,
    tpu.vector_store %arg14[%swap3A_38], %broadcast_in_dim3A_3 {strides = array<i32>} : memref<128xf32, #tpu.memory_space<vmem>>, vector<16xf32>,
    %swap3A_40 = arith.constant 96 : index
    %swap3A_41 = tpu.vector_load %arg15[%swap3A_40] {strides = array<i32>} : memref<128xf32, #tpu.memory_space<vmem>>, vector<16xf32>,
    tpu.vector_store %arg15[%swap3A_40], %broadcast_in_dim3A_3 {strides = array<i32>} : memref<128xf32, #tpu.memory_space<vmem>>, vector<16xf32>,
    %swap3A_42 = arith.constant 112 : index
    %swap3A_43 = tpu.vector_load %arg14[%swap3A_42] {strides = array<i32>} : memref<128xf32, #tpu.memory_space<vmem>>, vector<16xf32>,
    tpu.vector_store %arg14[%swap3A_42], %broadcast_in_dim3A_3 {strides = array<i32>} : memref<128xf32, #tpu.memory_space<vmem>>, vector<16xf32>,
    %swap3A_44 = arith.constant 112 : index
    %swap3A_45 = tpu.vector_load %arg15[%swap3A_44] {strides = array<i32>} : memref<128xf32, #tpu.memory_space<vmem>>, vector<16xf32>,
    tpu.vector_store %arg15[%swap3A_44], %broadcast_in_dim3A_3 {strides = array<i32>} : memref<128xf32, #tpu.memory_space<vmem>>, vector<16xf32>,
    %scan3A_46 = arith.constant 0 : i32
    %scan3A_47 = arith.constant 0 : i32
    %scan3A_48 = arith.constant 11 : i32
    %scan3A_49 = arith.addi %scan3A_47, %scan3A_48 : i32
    %scan3A_50 = arith.constant 1 : i32
    scf.for %scan3A_52 = %scan3A_47 to %scan3A_49 step %scan3A_50  : i32 {
      %add3A_53 = arith.constant 275 : i32
      %add3A_54 = arith.addi %add3A_53, %add3A : i32
      %mul3A_55 = arith.constant 32 : i32
      %mul3A_56 = arith.muli %mul3A_55, %scan3A_52 : i32
      %add3A_57 = arith.addi %add3A_54, %mul3A_56 : i32
      %lt3A_58 = arith.constant 625 : i32
      %lt3A_59 = arith.cmpi slt, %add3A_57, %lt3A_58 : i32
      %convert_element_type3A = arith.extui %lt3A_59 : i1 to i32
      %cond3A = arith.constant 0 : i32
      %cond3A_60 = arith.cmpi ne, %convert_element_type3A, %cond3A : i32
      scf.if %cond3A_60 {
        "tpu.region"() ({
          %run_scoped3A = tpu.sem_alloc : memref<!tpu.dma_semaphore, #tpu.memory_space<semaphore_mem>>
          %dma_start3A = arith.constant 0 : i32
          %dma_start3A_67 = arith.constant 0 : i32
          %dma_start3A_68 = tpu.memref_slice %arg2[%add3A_57, %dma_start3A, %dma_start3A_67] : memref<625x160x100xf32, #tpu.memory_space<hbm>> -> memref<1x160x100xf32, #tpu.memory_space<hbm>>
          %dma_start3A_69 = tpu.memref_squeeze %dma_start3A_68 : memref<1x160x100xf32, #tpu.memory_space<hbm>> -> memref<160x100xf32, #tpu.memory_space<hbm>>
          %dma_start3A_70 = arith.constant 0 : i32
          %dma_start3A_71 = arith.constant 0 : i32
          %dma_start3A_72 = tpu.memref_slice %arg2[%add3A_57, %dma_start3A_70, %dma_start3A_71] : memref<625x160x100xf32, #tpu.memory_space<hbm>> -> memref<1x160x100xf32, #tpu.memory_space<hbm>>
          %dma_start3A_73 = tpu.memref_squeeze %dma_start3A_72 : memref<1x160x100xf32, #tpu.memory_space<hbm>> -> memref<160x100xf32, #tpu.memory_space<hbm>>
          tpu.enqueue_dma source(%dma_start3A_73 : memref<160x100xf32, #tpu.memory_space<hbm>>) target(%arg9 : memref<160x100xf32, #tpu.memory_space<vmem>>) target_semaphore(%run_scoped3A : memref<!tpu.dma_semaphore, #tpu.memory_space<semaphore_mem>>)
          %dma_wait3A = arith.constant 0 : i32
          %dma_wait3A_74 = arith.constant 0 : i32
          %dma_wait3A_75 = tpu.memref_slice %arg2[%add3A_57, %dma_wait3A, %dma_wait3A_74] : memref<625x160x100xf32, #tpu.memory_space<hbm>> -> memref<1x160x100xf32, #tpu.memory_space<hbm>>
          %dma_wait3A_76 = tpu.memref_squeeze %dma_wait3A_75 : memref<1x160x100xf32, #tpu.memory_space<hbm>> -> memref<160x100xf32, #tpu.memory_space<hbm>>
          %dma_wait3A_77 = arith.constant 0 : i32
          %dma_wait3A_78 = arith.constant 0 : i32
          %dma_wait3A_79 = tpu.memref_slice %arg2[%add3A_57, %dma_wait3A_77, %dma_wait3A_78] : memref<625x160x100xf32, #tpu.memory_space<hbm>> -> memref<1x160x100xf32, #tpu.memory_space<hbm>>
          %dma_wait3A_80 = tpu.memref_squeeze %dma_wait3A_79 : memref<1x160x100xf32, #tpu.memory_space<hbm>> -> memref<160x100xf32, #tpu.memory_space<hbm>>
          tpu.wait_dma2 semaphore(%run_scoped3A : memref<!tpu.dma_semaphore, #tpu.memory_space<semaphore_mem>>) src(%dma_wait3A_80 : memref<160x100xf32, #tpu.memory_space<hbm>>) dst(%arg9 : memref<160x100xf32, #tpu.memory_space<vmem>>)
          tpu.yield
        }) : () -> ()
        "tpu.region"() ({
          %run_scoped3A = tpu.sem_alloc : memref<!tpu.dma_semaphore, #tpu.memory_space<semaphore_mem>>
          %dma_start3A = arith.constant 0 : i32
          %dma_start3A_67 = tpu.memref_slice %arg3[%add3A_57, %dma_start3A] : memref<625x160xi32, #tpu.memory_space<hbm>> -> memref<1x160xi32, #tpu.memory_space<hbm>>
          %dma_start3A_68 = tpu.memref_squeeze %dma_start3A_67 : memref<1x160xi32, #tpu.memory_space<hbm>> -> memref<160xi32, #tpu.memory_space<hbm>>
          %dma_start3A_69 = arith.constant 0 : i32
          %dma_start3A_70 = tpu.memref_slice %arg3[%add3A_57, %dma_start3A_69] : memref<625x160xi32, #tpu.memory_space<hbm>> -> memref<1x160xi32, #tpu.memory_space<hbm>>
          %dma_start3A_71 = tpu.memref_squeeze %dma_start3A_70 : memref<1x160xi32, #tpu.memory_space<hbm>> -> memref<160xi32, #tpu.memory_space<hbm>>
          tpu.enqueue_dma source(%dma_start3A_71 : memref<160xi32, #tpu.memory_space<hbm>>) target(%arg10 : memref<160xi32, #tpu.memory_space<vmem>>) target_semaphore(%run_scoped3A : memref<!tpu.dma_semaphore, #tpu.memory_space<semaphore_mem>>)
          %dma_wait3A = arith.constant 0 : i32
          %dma_wait3A_72 = tpu.memref_slice %arg3[%add3A_57, %dma_wait3A] : memref<625x160xi32, #tpu.memory_space<hbm>> -> memref<1x160xi32, #tpu.memory_space<hbm>>
          %dma_wait3A_73 = tpu.memref_squeeze %dma_wait3A_72 : memref<1x160xi32, #tpu.memory_space<hbm>> -> memref<160xi32, #tpu.memory_space<hbm>>
          %dma_wait3A_74 = arith.constant 0 : i32
          %dma_wait3A_75 = tpu.memref_slice %arg3[%add3A_57, %dma_wait3A_74] : memref<625x160xi32, #tpu.memory_space<hbm>> -> memref<1x160xi32, #tpu.memory_space<hbm>>
          %dma_wait3A_76 = tpu.memref_squeeze %dma_wait3A_75 : memref<1x160xi32, #tpu.memory_space<hbm>> -> memref<160xi32, #tpu.memory_space<hbm>>
          tpu.wait_dma2 semaphore(%run_scoped3A : memref<!tpu.dma_semaphore, #tpu.memory_space<semaphore_mem>>) src(%dma_wait3A_76 : memref<160xi32, #tpu.memory_space<hbm>>) dst(%arg10 : memref<160xi32, #tpu.memory_space<vmem>>)
          tpu.yield
        }) : () -> ()
        %scan3A_61 = arith.constant 0 : i32
        %scan3A_62 = arith.constant 0 : i32
        %scan3A_63 = arith.constant 160 : i32
        %scan3A_64 = arith.addi %scan3A_62, %scan3A_63 : i32
        %scan3A_65 = arith.constant 1 : i32
        scf.for %scan3A_67 = %scan3A_62 to %scan3A_64 step %scan3A_65  : i32 {
          %get3A = arith.index_cast %scan3A_67 : i32 to index
          %get3A_68 = arith.constant 0 : index
          %get3A_69 = tpu.vector_load %arg9[%get3A, %get3A_68] {strides = array<i32>} : memref<160x100xf32, #tpu.memory_space<vmem>>, vector<16xf32>,
          %get3A_70 = arith.index_cast %scan3A_67 : i32 to index
          %get3A_71 = arith.constant 16 : index
          %get3A_72 = tpu.vector_load %arg9[%get3A_70, %get3A_71] {strides = array<i32>} : memref<160x100xf32, #tpu.memory_space<vmem>>, vector<16xf32>,
          %get3A_73 = arith.index_cast %scan3A_67 : i32 to index
          %get3A_74 = arith.constant 32 : index
          %get3A_75 = tpu.vector_load %arg9[%get3A_73, %get3A_74] {strides = array<i32>} : memref<160x100xf32, #tpu.memory_space<vmem>>, vector<16xf32>,
          %get3A_76 = arith.index_cast %scan3A_67 : i32 to index
          %get3A_77 = arith.constant 48 : index
          %get3A_78 = tpu.vector_load %arg9[%get3A_76, %get3A_77] {strides = array<i32>} : memref<160x100xf32, #tpu.memory_space<vmem>>, vector<16xf32>,
          %get3A_79 = arith.index_cast %scan3A_67 : i32 to index
          %get3A_80 = arith.constant 64 : index
          %get3A_81 = tpu.vector_load %arg9[%get3A_79, %get3A_80] {strides = array<i32>} : memref<160x100xf32, #tpu.memory_space<vmem>>, vector<16xf32>,
          %get3A_82 = arith.index_cast %scan3A_67 : i32 to index
          %get3A_83 = arith.constant 80 : index
          %get3A_84 = tpu.vector_load %arg9[%get3A_82, %get3A_83] {strides = array<i32>} : memref<160x100xf32, #tpu.memory_space<vmem>>, vector<16xf32>,
          %get3A_85 = arith.index_cast %scan3A_67 : i32 to index
          %get3A_86 = arith.constant 84 : index
          %get3A_87 = tpu.vector_load %arg9[%get3A_85, %get3A_86] {strides = array<i32>} : memref<160x100xf32, #tpu.memory_space<vmem>>, vector<16xf32>,
          %max3A = arith.maximumf %get3A_69, %get3A_72 : vector<16xf32>
          %max3A_88 = arith.maximumf %max3A, %get3A_75 : vector<16xf32>
          %max3A_89 = arith.maximumf %max3A_88, %get3A_78 : vector<16xf32>
          %max3A_90 = arith.maximumf %max3A_89, %get3A_81 : vector<16xf32>
          %max3A_91 = arith.maximumf %max3A_90, %get3A_84 : vector<16xf32>
          %max3A_92 = arith.maximumf %max3A_91, %get3A_87 : vector<16xf32>
          %xor3A = arith.constant 8 : i32
          %xor3A_93 = vector.broadcast %xor3A : i32 to vector<16xi32>
          %xor3A_94 = arith.xori %iota3A, %xor3A_93 : vector<16xi32>
          %lt3A_95 = arith.constant 0 : i32
          %lt3A_96 = vector.broadcast %lt3A_95 : i32 to vector<16xi32>
          %lt3A_97 = arith.cmpi slt, %xor3A_94, %lt3A_96 : vector<16xi32>
          %add3A_98 = arith.constant 16 : i32
          %add3A_99 = vector.broadcast %add3A_98 : i32 to vector<16xi32>
          %add3A_100 = arith.addi %xor3A_94, %add3A_99 : vector<16xi32>
          %select_n3A = arith.select %lt3A_97, %add3A_100, %xor3A_94 : vector<16xi1>, vector<16xi32>
          %broadcast_in_dim3A_101 = vector.shape_cast %select_n3A : vector<16xi32> to vector<16x1xi32>
          %gather3A = vector.shape_cast %broadcast_in_dim3A_101 : vector<16x1xi32> to vector<16xi32>
          %gather3A_102 = tpu.dynamic_gather %max3A_92[%gather3A] in [0] : vector<16xf32>, vector<16xi32> -> vector<16xf32>
          %max3A_103 = arith.maximumf %max3A_92, %gather3A_102 : vector<16xf32>
          %xor3A_104 = arith.constant 4 : i32
          %xor3A_105 = vector.broadcast %xor3A_104 : i32 to vector<16xi32>
          %xor3A_106 = arith.xori %iota3A, %xor3A_105 : vector<16xi32>
          %lt3A_107 = arith.constant 0 : i32
          %lt3A_108 = vector.broadcast %lt3A_107 : i32 to vector<16xi32>
          %lt3A_109 = arith.cmpi slt, %xor3A_106, %lt3A_108 : vector<16xi32>
          %add3A_110 = arith.constant 16 : i32
          %add3A_111 = vector.broadcast %add3A_110 : i32 to vector<16xi32>
          %add3A_112 = arith.addi %xor3A_106, %add3A_111 : vector<16xi32>
          %select_n3A_113 = arith.select %lt3A_109, %add3A_112, %xor3A_106 : vector<16xi1>, vector<16xi32>
          %broadcast_in_dim3A_114 = vector.shape_cast %select_n3A_113 : vector<16xi32> to vector<16x1xi32>
          %gather3A_115 = vector.shape_cast %broadcast_in_dim3A_114 : vector<16x1xi32> to vector<16xi32>
          %gather3A_116 = tpu.dynamic_gather %max3A_103[%gather3A_115] in [0] : vector<16xf32>, vector<16xi32> -> vector<16xf32>
          %max3A_117 = arith.maximumf %max3A_103, %gather3A_116 : vector<16xf32>
          %xor3A_118 = arith.constant 2 : i32
          %xor3A_119 = vector.broadcast %xor3A_118 : i32 to vector<16xi32>
          %xor3A_120 = arith.xori %iota3A, %xor3A_119 : vector<16xi32>
          %lt3A_121 = arith.constant 0 : i32
          %lt3A_122 = vector.broadcast %lt3A_121 : i32 to vector<16xi32>
          %lt3A_123 = arith.cmpi slt, %xor3A_120, %lt3A_122 : vector<16xi32>
          %add3A_124 = arith.constant 16 : i32
          %add3A_125 = vector.broadcast %add3A_124 : i32 to vector<16xi32>
          %add3A_126 = arith.addi %xor3A_120, %add3A_125 : vector<16xi32>
          %select_n3A_127 = arith.select %lt3A_123, %add3A_126, %xor3A_120 : vector<16xi1>, vector<16xi32>
          %broadcast_in_dim3A_128 = vector.shape_cast %select_n3A_127 : vector<16xi32> to vector<16x1xi32>
          %gather3A_129 = vector.shape_cast %broadcast_in_dim3A_128 : vector<16x1xi32> to vector<16xi32>
          %gather3A_130 = tpu.dynamic_gather %max3A_117[%gather3A_129] in [0] : vector<16xf32>, vector<16xi32> -> vector<16xf32>
          %max3A_131 = arith.maximumf %max3A_117, %gather3A_130 : vector<16xf32>
          %xor3A_132 = arith.constant 1 : i32
          %xor3A_133 = vector.broadcast %xor3A_132 : i32 to vector<16xi32>
          %xor3A_134 = arith.xori %iota3A, %xor3A_133 : vector<16xi32>
          %lt3A_135 = arith.constant 0 : i32
          %lt3A_136 = vector.broadcast %lt3A_135 : i32 to vector<16xi32>
          %lt3A_137 = arith.cmpi slt, %xor3A_134, %lt3A_136 : vector<16xi32>
          %add3A_138 = arith.constant 16 : i32
          %add3A_139 = vector.broadcast %add3A_138 : i32 to vector<16xi32>
          %add3A_140 = arith.addi %xor3A_134, %add3A_139 : vector<16xi32>
          %select_n3A_141 = arith.select %lt3A_137, %add3A_140, %xor3A_134 : vector<16xi1>, vector<16xi32>
          %broadcast_in_dim3A_142 = vector.shape_cast %select_n3A_141 : vector<16xi32> to vector<16x1xi32>
          %gather3A_143 = vector.shape_cast %broadcast_in_dim3A_142 : vector<16x1xi32> to vector<16xi32>
          %gather3A_144 = tpu.dynamic_gather %max3A_131[%gather3A_143] in [0] : vector<16xf32>, vector<16xi32> -> vector<16xf32>
          %max3A_145 = arith.maximumf %max3A_131, %gather3A_144 : vector<16xf32>
          %sub3A = arith.subf %get3A_69, %max3A_145 : vector<16xf32>
          %exp3A = math.exp %sub3A : vector<16xf32>
          %sub3A_146 = arith.subf %get3A_72, %max3A_145 : vector<16xf32>
          %exp3A_147 = math.exp %sub3A_146 : vector<16xf32>
          %sub3A_148 = arith.subf %get3A_75, %max3A_145 : vector<16xf32>
          %exp3A_149 = math.exp %sub3A_148 : vector<16xf32>
          %sub3A_150 = arith.subf %get3A_78, %max3A_145 : vector<16xf32>
          %exp3A_151 = math.exp %sub3A_150 : vector<16xf32>
          %sub3A_152 = arith.subf %get3A_81, %max3A_145 : vector<16xf32>
          %exp3A_153 = math.exp %sub3A_152 : vector<16xf32>
          %sub3A_154 = arith.subf %get3A_84, %max3A_145 : vector<16xf32>
          %exp3A_155 = math.exp %sub3A_154 : vector<16xf32>
          %sub3A_156 = arith.subf %get3A_87, %max3A_145 : vector<16xf32>
          %exp3A_157 = math.exp %sub3A_156 : vector<16xf32>
          %add3A_158 = arith.addf %exp3A, %exp3A_147 : vector<16xf32>
          %add3A_159 = arith.addf %add3A_158, %exp3A_149 : vector<16xf32>
          %add3A_160 = arith.addf %add3A_159, %exp3A_151 : vector<16xf32>
          %add3A_161 = arith.addf %add3A_160, %exp3A_153 : vector<16xf32>
          %add3A_162 = arith.addf %add3A_161, %exp3A_155 : vector<16xf32>
          %select_n3A_163 = arith.select %ge3A_9, %exp3A_157, %broadcast_in_dim3A_3 : vector<16xi1>, vector<16xf32>
          %add3A_164 = arith.addf %add3A_162, %select_n3A_163 : vector<16xf32>
          %xor3A_165 = arith.constant 8 : i32
          %xor3A_166 = vector.broadcast %xor3A_165 : i32 to vector<16xi32>
          %xor3A_167 = arith.xori %iota3A, %xor3A_166 : vector<16xi32>
          %lt3A_168 = arith.constant 0 : i32
          %lt3A_169 = vector.broadcast %lt3A_168 : i32 to vector<16xi32>
          %lt3A_170 = arith.cmpi slt, %xor3A_167, %lt3A_169 : vector<16xi32>
          %add3A_171 = arith.constant 16 : i32
          %add3A_172 = vector.broadcast %add3A_171 : i32 to vector<16xi32>
          %add3A_173 = arith.addi %xor3A_167, %add3A_172 : vector<16xi32>
          %select_n3A_174 = arith.select %lt3A_170, %add3A_173, %xor3A_167 : vector<16xi1>, vector<16xi32>
          %broadcast_in_dim3A_175 = vector.shape_cast %select_n3A_174 : vector<16xi32> to vector<16x1xi32>
          %gather3A_176 = vector.shape_cast %broadcast_in_dim3A_175 : vector<16x1xi32> to vector<16xi32>
          %gather3A_177 = tpu.dynamic_gather %add3A_164[%gather3A_176] in [0] : vector<16xf32>, vector<16xi32> -> vector<16xf32>
          %add3A_178 = arith.addf %add3A_164, %gather3A_177 : vector<16xf32>
          %xor3A_179 = arith.constant 4 : i32
          %xor3A_180 = vector.broadcast %xor3A_179 : i32 to vector<16xi32>
          %xor3A_181 = arith.xori %iota3A, %xor3A_180 : vector<16xi32>
          %lt3A_182 = arith.constant 0 : i32
          %lt3A_183 = vector.broadcast %lt3A_182 : i32 to vector<16xi32>
          %lt3A_184 = arith.cmpi slt, %xor3A_181, %lt3A_183 : vector<16xi32>
          %add3A_185 = arith.constant 16 : i32
          %add3A_186 = vector.broadcast %add3A_185 : i32 to vector<16xi32>
          %add3A_187 = arith.addi %xor3A_181, %add3A_186 : vector<16xi32>
          %select_n3A_188 = arith.select %lt3A_184, %add3A_187, %xor3A_181 : vector<16xi1>, vector<16xi32>
          %broadcast_in_dim3A_189 = vector.shape_cast %select_n3A_188 : vector<16xi32> to vector<16x1xi32>
          %gather3A_190 = vector.shape_cast %broadcast_in_dim3A_189 : vector<16x1xi32> to vector<16xi32>
          %gather3A_191 = tpu.dynamic_gather %add3A_178[%gather3A_190] in [0] : vector<16xf32>, vector<16xi32> -> vector<16xf32>
          %add3A_192 = arith.addf %add3A_178, %gather3A_191 : vector<16xf32>
          %xor3A_193 = arith.constant 2 : i32
          %xor3A_194 = vector.broadcast %xor3A_193 : i32 to vector<16xi32>
          %xor3A_195 = arith.xori %iota3A, %xor3A_194 : vector<16xi32>
          %lt3A_196 = arith.constant 0 : i32
          %lt3A_197 = vector.broadcast %lt3A_196 : i32 to vector<16xi32>
          %lt3A_198 = arith.cmpi slt, %xor3A_195, %lt3A_197 : vector<16xi32>
          %add3A_199 = arith.constant 16 : i32
          %add3A_200 = vector.broadcast %add3A_199 : i32 to vector<16xi32>
          %add3A_201 = arith.addi %xor3A_195, %add3A_200 : vector<16xi32>
          %select_n3A_202 = arith.select %lt3A_198, %add3A_201, %xor3A_195 : vector<16xi1>, vector<16xi32>
          %broadcast_in_dim3A_203 = vector.shape_cast %select_n3A_202 : vector<16xi32> to vector<16x1xi32>
          %gather3A_204 = vector.shape_cast %broadcast_in_dim3A_203 : vector<16x1xi32> to vector<16xi32>
          %gather3A_205 = tpu.dynamic_gather %add3A_192[%gather3A_204] in [0] : vector<16xf32>, vector<16xi32> -> vector<16xf32>
          %add3A_206 = arith.addf %add3A_192, %gather3A_205 : vector<16xf32>
          %xor3A_207 = arith.constant 1 : i32
          %xor3A_208 = vector.broadcast %xor3A_207 : i32 to vector<16xi32>
          %xor3A_209 = arith.xori %iota3A, %xor3A_208 : vector<16xi32>
          %lt3A_210 = arith.constant 0 : i32
          %lt3A_211 = vector.broadcast %lt3A_210 : i32 to vector<16xi32>
          %lt3A_212 = arith.cmpi slt, %xor3A_209, %lt3A_211 : vector<16xi32>
          %add3A_213 = arith.constant 16 : i32
          %add3A_214 = vector.broadcast %add3A_213 : i32 to vector<16xi32>
          %add3A_215 = arith.addi %xor3A_209, %add3A_214 : vector<16xi32>
          %select_n3A_216 = arith.select %lt3A_212, %add3A_215, %xor3A_209 : vector<16xi1>, vector<16xi32>
          %broadcast_in_dim3A_217 = vector.shape_cast %select_n3A_216 : vector<16xi32> to vector<16x1xi32>
          %gather3A_218 = vector.shape_cast %broadcast_in_dim3A_217 : vector<16x1xi32> to vector<16xi32>
          %gather3A_219 = tpu.dynamic_gather %add3A_206[%gather3A_218] in [0] : vector<16xf32>, vector<16xi32> -> vector<16xf32>
          %add3A_220 = arith.addf %add3A_206, %gather3A_219 : vector<16xf32>
          %div3A = arith.divf %exp3A, %add3A_220 : vector<16xf32>
          %div3A_221 = arith.divf %exp3A_147, %add3A_220 : vector<16xf32>
          %div3A_222 = arith.divf %exp3A_149, %add3A_220 : vector<16xf32>
          %div3A_223 = arith.divf %exp3A_151, %add3A_220 : vector<16xf32>
          %div3A_224 = arith.divf %exp3A_153, %add3A_220 : vector<16xf32>
          %div3A_225 = arith.divf %exp3A_155, %add3A_220 : vector<16xf32>
          %div3A_226 = arith.divf %exp3A_157, %add3A_220 : vector<16xf32>
          %div3A_227 = arith.divf %broadcast_in_dim3A_1, %add3A_220 : vector<16xf32>
          %broadcast_in_dim3A_228 = arith.constant 1000 : i32
          %broadcast_in_dim3A_229 = vector.broadcast %broadcast_in_dim3A_228 : i32 to vector<16xi32>
          %eq3A_230 = arith.cmpf oeq, %div3A, %div3A_227 : vector<16xf32>
          %add3A_231 = arith.constant 0 : i32
          %add3A_232 = vector.broadcast %add3A_231 : i32 to vector<16xi32>
          %add3A_233 = arith.addi %iota3A, %add3A_232 : vector<16xi32>
          %jit3A = arith.constant 1000 : i32
          %broadcast_in_dim3A_234 = vector.broadcast %jit3A : i32 to vector<16xi32>
          %select_n3A_235 = arith.select %eq3A_230, %add3A_233, %broadcast_in_dim3A_234 : vector<16xi1>, vector<16xi32>
          %min3A = arith.minsi %broadcast_in_dim3A_229, %select_n3A_235 : vector<16xi32>
          %eq3A_236 = arith.cmpf oeq, %div3A_221, %div3A_227 : vector<16xf32>
          %add3A_237 = arith.constant 16 : i32
          %add3A_238 = vector.broadcast %add3A_237 : i32 to vector<16xi32>
          %add3A_239 = arith.addi %iota3A, %add3A_238 : vector<16xi32>
          %jit3A_240 = arith.constant 1000 : i32
          %broadcast_in_dim3A_241 = vector.broadcast %jit3A_240 : i32 to vector<16xi32>
          %select_n3A_242 = arith.select %eq3A_236, %add3A_239, %broadcast_in_dim3A_241 : vector<16xi1>, vector<16xi32>
          %min3A_243 = arith.minsi %min3A, %select_n3A_242 : vector<16xi32>
          %eq3A_244 = arith.cmpf oeq, %div3A_222, %div3A_227 : vector<16xf32>
          %add3A_245 = arith.constant 32 : i32
          %add3A_246 = vector.broadcast %add3A_245 : i32 to vector<16xi32>
          %add3A_247 = arith.addi %iota3A, %add3A_246 : vector<16xi32>
          %jit3A_248 = arith.constant 1000 : i32
          %broadcast_in_dim3A_249 = vector.broadcast %jit3A_248 : i32 to vector<16xi32>
          %select_n3A_250 = arith.select %eq3A_244, %add3A_247, %broadcast_in_dim3A_249 : vector<16xi1>, vector<16xi32>
          %min3A_251 = arith.minsi %min3A_243, %select_n3A_250 : vector<16xi32>
          %eq3A_252 = arith.cmpf oeq, %div3A_223, %div3A_227 : vector<16xf32>
          %add3A_253 = arith.constant 48 : i32
          %add3A_254 = vector.broadcast %add3A_253 : i32 to vector<16xi32>
          %add3A_255 = arith.addi %iota3A, %add3A_254 : vector<16xi32>
          %jit3A_256 = arith.constant 1000 : i32
          %broadcast_in_dim3A_257 = vector.broadcast %jit3A_256 : i32 to vector<16xi32>
          %select_n3A_258 = arith.select %eq3A_252, %add3A_255, %broadcast_in_dim3A_257 : vector<16xi1>, vector<16xi32>
          %min3A_259 = arith.minsi %min3A_251, %select_n3A_258 : vector<16xi32>
          %eq3A_260 = arith.cmpf oeq, %div3A_224, %div3A_227 : vector<16xf32>
          %add3A_261 = arith.constant 64 : i32
          %add3A_262 = vector.broadcast %add3A_261 : i32 to vector<16xi32>
          %add3A_263 = arith.addi %iota3A, %add3A_262 : vector<16xi32>
          %jit3A_264 = arith.constant 1000 : i32
          %broadcast_in_dim3A_265 = vector.broadcast %jit3A_264 : i32 to vector<16xi32>
          %select_n3A_266 = arith.select %eq3A_260, %add3A_263, %broadcast_in_dim3A_265 : vector<16xi1>, vector<16xi32>
          %min3A_267 = arith.minsi %min3A_259, %select_n3A_266 : vector<16xi32>
          %eq3A_268 = arith.cmpf oeq, %div3A_225, %div3A_227 : vector<16xf32>
          %add3A_269 = arith.constant 80 : i32
          %add3A_270 = vector.broadcast %add3A_269 : i32 to vector<16xi32>
          %add3A_271 = arith.addi %iota3A, %add3A_270 : vector<16xi32>
          %jit3A_272 = arith.constant 1000 : i32
          %broadcast_in_dim3A_273 = vector.broadcast %jit3A_272 : i32 to vector<16xi32>
          %select_n3A_274 = arith.select %eq3A_268, %add3A_271, %broadcast_in_dim3A_273 : vector<16xi1>, vector<16xi32>
          %min3A_275 = arith.minsi %min3A_267, %select_n3A_274 : vector<16xi32>
          %eq3A_276 = arith.cmpf oeq, %div3A_226, %div3A_227 : vector<16xf32>
          %and3A = arith.andi %eq3A_276, %ge3A_9 : vector<16xi1>
          %add3A_277 = arith.constant 84 : i32
          %add3A_278 = vector.broadcast %add3A_277 : i32 to vector<16xi32>
          %add3A_279 = arith.addi %iota3A, %add3A_278 : vector<16xi32>
          %jit3A_280 = arith.constant 1000 : i32
          %broadcast_in_dim3A_281 = vector.broadcast %jit3A_280 : i32 to vector<16xi32>
          %select_n3A_282 = arith.select %and3A, %add3A_279, %broadcast_in_dim3A_281 : vector<16xi1>, vector<16xi32>
          %min3A_283 = arith.minsi %min3A_275, %select_n3A_282 : vector<16xi32>
          %xor3A_284 = arith.constant 8 : i32
          %xor3A_285 = vector.broadcast %xor3A_284 : i32 to vector<16xi32>
          %xor3A_286 = arith.xori %iota3A, %xor3A_285 : vector<16xi32>
          %lt3A_287 = arith.constant 0 : i32
          %lt3A_288 = vector.broadcast %lt3A_287 : i32 to vector<16xi32>
          %lt3A_289 = arith.cmpi slt, %xor3A_286, %lt3A_288 : vector<16xi32>
          %add3A_290 = arith.constant 16 : i32
          %add3A_291 = vector.broadcast %add3A_290 : i32 to vector<16xi32>
          %add3A_292 = arith.addi %xor3A_286, %add3A_291 : vector<16xi32>
          %select_n3A_293 = arith.select %lt3A_289, %add3A_292, %xor3A_286 : vector<16xi1>, vector<16xi32>
          %broadcast_in_dim3A_294 = vector.shape_cast %select_n3A_293 : vector<16xi32> to vector<16x1xi32>
          %gather3A_295 = vector.shape_cast %broadcast_in_dim3A_294 : vector<16x1xi32> to vector<16xi32>
          %gather3A_296 = tpu.dynamic_gather %min3A_283[%gather3A_295] in [0] : vector<16xi32>, vector<16xi32> -> vector<16xi32>
          %min3A_297 = arith.minsi %min3A_283, %gather3A_296 : vector<16xi32>
          %xor3A_298 = arith.constant 4 : i32
          %xor3A_299 = vector.broadcast %xor3A_298 : i32 to vector<16xi32>
          %xor3A_300 = arith.xori %iota3A, %xor3A_299 : vector<16xi32>
          %lt3A_301 = arith.constant 0 : i32
          %lt3A_302 = vector.broadcast %lt3A_301 : i32 to vector<16xi32>
          %lt3A_303 = arith.cmpi slt, %xor3A_300, %lt3A_302 : vector<16xi32>
          %add3A_304 = arith.constant 16 : i32
          %add3A_305 = vector.broadcast %add3A_304 : i32 to vector<16xi32>
          %add3A_306 = arith.addi %xor3A_300, %add3A_305 : vector<16xi32>
          %select_n3A_307 = arith.select %lt3A_303, %add3A_306, %xor3A_300 : vector<16xi1>, vector<16xi32>
          %broadcast_in_dim3A_308 = vector.shape_cast %select_n3A_307 : vector<16xi32> to vector<16x1xi32>
          %gather3A_309 = vector.shape_cast %broadcast_in_dim3A_308 : vector<16x1xi32> to vector<16xi32>
          %gather3A_310 = tpu.dynamic_gather %min3A_297[%gather3A_309] in [0] : vector<16xi32>, vector<16xi32> -> vector<16xi32>
          %min3A_311 = arith.minsi %min3A_297, %gather3A_310 : vector<16xi32>
          %xor3A_312 = arith.constant 2 : i32
          %xor3A_313 = vector.broadcast %xor3A_312 : i32 to vector<16xi32>
          %xor3A_314 = arith.xori %iota3A, %xor3A_313 : vector<16xi32>
          %lt3A_315 = arith.constant 0 : i32
          %lt3A_316 = vector.broadcast %lt3A_315 : i32 to vector<16xi32>
          %lt3A_317 = arith.cmpi slt, %xor3A_314, %lt3A_316 : vector<16xi32>
          %add3A_318 = arith.constant 16 : i32
          %add3A_319 = vector.broadcast %add3A_318 : i32 to vector<16xi32>
          %add3A_320 = arith.addi %xor3A_314, %add3A_319 : vector<16xi32>
          %select_n3A_321 = arith.select %lt3A_317, %add3A_320, %xor3A_314 : vector<16xi1>, vector<16xi32>
          %broadcast_in_dim3A_322 = vector.shape_cast %select_n3A_321 : vector<16xi32> to vector<16x1xi32>
          %gather3A_323 = vector.shape_cast %broadcast_in_dim3A_322 : vector<16x1xi32> to vector<16xi32>
          %gather3A_324 = tpu.dynamic_gather %min3A_311[%gather3A_323] in [0] : vector<16xi32>, vector<16xi32> -> vector<16xi32>
          %min3A_325 = arith.minsi %min3A_311, %gather3A_324 : vector<16xi32>
          %xor3A_326 = arith.constant 1 : i32
          %xor3A_327 = vector.broadcast %xor3A_326 : i32 to vector<16xi32>
          %xor3A_328 = arith.xori %iota3A, %xor3A_327 : vector<16xi32>
          %lt3A_329 = arith.constant 0 : i32
          %lt3A_330 = vector.broadcast %lt3A_329 : i32 to vector<16xi32>
          %lt3A_331 = arith.cmpi slt, %xor3A_328, %lt3A_330 : vector<16xi32>
          %add3A_332 = arith.constant 16 : i32
          %add3A_333 = vector.broadcast %add3A_332 : i32 to vector<16xi32>
          %add3A_334 = arith.addi %xor3A_328, %add3A_333 : vector<16xi32>
          %select_n3A_335 = arith.select %lt3A_331, %add3A_334, %xor3A_328 : vector<16xi1>, vector<16xi32>
          %broadcast_in_dim3A_336 = vector.shape_cast %select_n3A_335 : vector<16xi32> to vector<16x1xi32>
          %gather3A_337 = vector.shape_cast %broadcast_in_dim3A_336 : vector<16x1xi32> to vector<16xi32>
          %gather3A_338 = tpu.dynamic_gather %min3A_325[%gather3A_337] in [0] : vector<16xi32>, vector<16xi32> -> vector<16xi32>
          %min3A_339 = arith.minsi %min3A_325, %gather3A_338 : vector<16xi32>
          %mul3A_340 = arith.constant 1.500000e+01 : f32
          %mul3A_341 = vector.broadcast %mul3A_340 : f32 to vector<16xf32>
          %mul3A_342 = arith.mulf %div3A, %mul3A_341 : vector<16xf32>
          %convert_element_type3A_343 = arith.fptosi %mul3A_342 : vector<16xf32> to vector<16xi32>
          %min3A_344 = arith.constant 14 : i32
          %min3A_345 = vector.broadcast %min3A_344 : i32 to vector<16xi32>
          %min3A_346 = arith.minsi %convert_element_type3A_343, %min3A_345 : vector<16xi32>
          %shift_left3A = arith.constant 7 : i32
          %shift_left3A_347 = vector.broadcast %shift_left3A : i32 to vector<16xi32>
          %shift_left3A_348 = arith.shli %min3A_346, %shift_left3A_347 : vector<16xi32>
          %add3A_349 = arith.constant 0 : i32
          %add3A_350 = vector.broadcast %add3A_349 : i32 to vector<16xi32>
          %add3A_351 = arith.addi %iota3A, %add3A_350 : vector<16xi32>
          %add3A_352 = arith.addi %shift_left3A_348, %add3A_351 : vector<16xi32>
          tpu.vector_store_idx %arg11[%add3A_352], %broadcast_in_dim3A_1 masked %lt3A_7 {add = true} : memref<1920xf32, #tpu.memory_space<vmem>>[vector<16xi32>], vector<16xf32>, vector<16xi1>
          tpu.vector_store_idx %arg12[%add3A_352], %div3A masked %lt3A_7 {add = true} : memref<1920xf32, #tpu.memory_space<vmem>>[vector<16xi32>], vector<16xf32>, vector<16xi1>
          %mul3A_353 = arith.constant 1.500000e+01 : f32
          %mul3A_354 = vector.broadcast %mul3A_353 : f32 to vector<16xf32>
          %mul3A_355 = arith.mulf %div3A_221, %mul3A_354 : vector<16xf32>
          %convert_element_type3A_356 = arith.fptosi %mul3A_355 : vector<16xf32> to vector<16xi32>
          %min3A_357 = arith.constant 14 : i32
          %min3A_358 = vector.broadcast %min3A_357 : i32 to vector<16xi32>
          %min3A_359 = arith.minsi %convert_element_type3A_356, %min3A_358 : vector<16xi32>
          %shift_left3A_360 = arith.constant 7 : i32
          %shift_left3A_361 = vector.broadcast %shift_left3A_360 : i32 to vector<16xi32>
          %shift_left3A_362 = arith.shli %min3A_359, %shift_left3A_361 : vector<16xi32>
          %add3A_363 = arith.constant 16 : i32
          %add3A_364 = vector.broadcast %add3A_363 : i32 to vector<16xi32>
          %add3A_365 = arith.addi %iota3A, %add3A_364 : vector<16xi32>
          %add3A_366 = arith.addi %shift_left3A_362, %add3A_365 : vector<16xi32>
          tpu.vector_store_idx %arg11[%add3A_366], %broadcast_in_dim3A_1 masked %lt3A_7 {add = true} : memref<1920xf32, #tpu.memory_space<vmem>>[vector<16xi32>], vector<16xf32>, vector<16xi1>
          tpu.vector_store_idx %arg12[%add3A_366], %div3A_221 masked %lt3A_7 {add = true} : memref<1920xf32, #tpu.memory_space<vmem>>[vector<16xi32>], vector<16xf32>, vector<16xi1>
          %mul3A_367 = arith.constant 1.500000e+01 : f32
          %mul3A_368 = vector.broadcast %mul3A_367 : f32 to vector<16xf32>
          %mul3A_369 = arith.mulf %div3A_222, %mul3A_368 : vector<16xf32>
          %convert_element_type3A_370 = arith.fptosi %mul3A_369 : vector<16xf32> to vector<16xi32>
          %min3A_371 = arith.constant 14 : i32
          %min3A_372 = vector.broadcast %min3A_371 : i32 to vector<16xi32>
          %min3A_373 = arith.minsi %convert_element_type3A_370, %min3A_372 : vector<16xi32>
          %shift_left3A_374 = arith.constant 7 : i32
          %shift_left3A_375 = vector.broadcast %shift_left3A_374 : i32 to vector<16xi32>
          %shift_left3A_376 = arith.shli %min3A_373, %shift_left3A_375 : vector<16xi32>
          %add3A_377 = arith.constant 32 : i32
          %add3A_378 = vector.broadcast %add3A_377 : i32 to vector<16xi32>
          %add3A_379 = arith.addi %iota3A, %add3A_378 : vector<16xi32>
          %add3A_380 = arith.addi %shift_left3A_376, %add3A_379 : vector<16xi32>
          tpu.vector_store_idx %arg11[%add3A_380], %broadcast_in_dim3A_1 masked %lt3A_7 {add = true} : memref<1920xf32, #tpu.memory_space<vmem>>[vector<16xi32>], vector<16xf32>, vector<16xi1>
          tpu.vector_store_idx %arg12[%add3A_380], %div3A_222 masked %lt3A_7 {add = true} : memref<1920xf32, #tpu.memory_space<vmem>>[vector<16xi32>], vector<16xf32>, vector<16xi1>
          %mul3A_381 = arith.constant 1.500000e+01 : f32
          %mul3A_382 = vector.broadcast %mul3A_381 : f32 to vector<16xf32>
          %mul3A_383 = arith.mulf %div3A_223, %mul3A_382 : vector<16xf32>
          %convert_element_type3A_384 = arith.fptosi %mul3A_383 : vector<16xf32> to vector<16xi32>
          %min3A_385 = arith.constant 14 : i32
          %min3A_386 = vector.broadcast %min3A_385 : i32 to vector<16xi32>
          %min3A_387 = arith.minsi %convert_element_type3A_384, %min3A_386 : vector<16xi32>
          %shift_left3A_388 = arith.constant 7 : i32
          %shift_left3A_389 = vector.broadcast %shift_left3A_388 : i32 to vector<16xi32>
          %shift_left3A_390 = arith.shli %min3A_387, %shift_left3A_389 : vector<16xi32>
          %add3A_391 = arith.constant 48 : i32
          %add3A_392 = vector.broadcast %add3A_391 : i32 to vector<16xi32>
          %add3A_393 = arith.addi %iota3A, %add3A_392 : vector<16xi32>
          %add3A_394 = arith.addi %shift_left3A_390, %add3A_393 : vector<16xi32>
          tpu.vector_store_idx %arg11[%add3A_394], %broadcast_in_dim3A_1 masked %lt3A_7 {add = true} : memref<1920xf32, #tpu.memory_space<vmem>>[vector<16xi32>], vector<16xf32>, vector<16xi1>
          tpu.vector_store_idx %arg12[%add3A_394], %div3A_223 masked %lt3A_7 {add = true} : memref<1920xf32, #tpu.memory_space<vmem>>[vector<16xi32>], vector<16xf32>, vector<16xi1>
          %mul3A_395 = arith.constant 1.500000e+01 : f32
          %mul3A_396 = vector.broadcast %mul3A_395 : f32 to vector<16xf32>
          %mul3A_397 = arith.mulf %div3A_224, %mul3A_396 : vector<16xf32>
          %convert_element_type3A_398 = arith.fptosi %mul3A_397 : vector<16xf32> to vector<16xi32>
          %min3A_399 = arith.constant 14 : i32
          %min3A_400 = vector.broadcast %min3A_399 : i32 to vector<16xi32>
          %min3A_401 = arith.minsi %convert_element_type3A_398, %min3A_400 : vector<16xi32>
          %shift_left3A_402 = arith.constant 7 : i32
          %shift_left3A_403 = vector.broadcast %shift_left3A_402 : i32 to vector<16xi32>
          %shift_left3A_404 = arith.shli %min3A_401, %shift_left3A_403 : vector<16xi32>
          %add3A_405 = arith.constant 64 : i32
          %add3A_406 = vector.broadcast %add3A_405 : i32 to vector<16xi32>
          %add3A_407 = arith.addi %iota3A, %add3A_406 : vector<16xi32>
          %add3A_408 = arith.addi %shift_left3A_404, %add3A_407 : vector<16xi32>
          tpu.vector_store_idx %arg11[%add3A_408], %broadcast_in_dim3A_1 masked %lt3A_7 {add = true} : memref<1920xf32, #tpu.memory_space<vmem>>[vector<16xi32>], vector<16xf32>, vector<16xi1>
          tpu.vector_store_idx %arg12[%add3A_408], %div3A_224 masked %lt3A_7 {add = true} : memref<1920xf32, #tpu.memory_space<vmem>>[vector<16xi32>], vector<16xf32>, vector<16xi1>
          %mul3A_409 = arith.constant 1.500000e+01 : f32
          %mul3A_410 = vector.broadcast %mul3A_409 : f32 to vector<16xf32>
          %mul3A_411 = arith.mulf %div3A_225, %mul3A_410 : vector<16xf32>
          %convert_element_type3A_412 = arith.fptosi %mul3A_411 : vector<16xf32> to vector<16xi32>
          %min3A_413 = arith.constant 14 : i32
          %min3A_414 = vector.broadcast %min3A_413 : i32 to vector<16xi32>
          %min3A_415 = arith.minsi %convert_element_type3A_412, %min3A_414 : vector<16xi32>
          %shift_left3A_416 = arith.constant 7 : i32
          %shift_left3A_417 = vector.broadcast %shift_left3A_416 : i32 to vector<16xi32>
          %shift_left3A_418 = arith.shli %min3A_415, %shift_left3A_417 : vector<16xi32>
          %add3A_419 = arith.constant 80 : i32
          %add3A_420 = vector.broadcast %add3A_419 : i32 to vector<16xi32>
          %add3A_421 = arith.addi %iota3A, %add3A_420 : vector<16xi32>
          %add3A_422 = arith.addi %shift_left3A_418, %add3A_421 : vector<16xi32>
          tpu.vector_store_idx %arg11[%add3A_422], %broadcast_in_dim3A_1 masked %lt3A_7 {add = true} : memref<1920xf32, #tpu.memory_space<vmem>>[vector<16xi32>], vector<16xf32>, vector<16xi1>
          tpu.vector_store_idx %arg12[%add3A_422], %div3A_225 masked %lt3A_7 {add = true} : memref<1920xf32, #tpu.memory_space<vmem>>[vector<16xi32>], vector<16xf32>, vector<16xi1>
          %mul3A_423 = arith.constant 1.500000e+01 : f32
          %mul3A_424 = vector.broadcast %mul3A_423 : f32 to vector<16xf32>
          %mul3A_425 = arith.mulf %div3A_226, %mul3A_424 : vector<16xf32>
          %convert_element_type3A_426 = arith.fptosi %mul3A_425 : vector<16xf32> to vector<16xi32>
          %min3A_427 = arith.constant 14 : i32
          %min3A_428 = vector.broadcast %min3A_427 : i32 to vector<16xi32>
          %min3A_429 = arith.minsi %convert_element_type3A_426, %min3A_428 : vector<16xi32>
          %shift_left3A_430 = arith.constant 7 : i32
          %shift_left3A_431 = vector.broadcast %shift_left3A_430 : i32 to vector<16xi32>
          %shift_left3A_432 = arith.shli %min3A_429, %shift_left3A_431 : vector<16xi32>
          %add3A_433 = arith.constant 84 : i32
          %add3A_434 = vector.broadcast %add3A_433 : i32 to vector<16xi32>
          %add3A_435 = arith.addi %iota3A, %add3A_434 : vector<16xi32>
          %add3A_436 = arith.addi %shift_left3A_432, %add3A_435 : vector<16xi32>
          tpu.vector_store_idx %arg11[%add3A_436], %broadcast_in_dim3A_1 masked %ge3A_9 {add = true} : memref<1920xf32, #tpu.memory_space<vmem>>[vector<16xi32>], vector<16xf32>, vector<16xi1>
          tpu.vector_store_idx %arg12[%add3A_436], %div3A_226 masked %ge3A_9 {add = true} : memref<1920xf32, #tpu.memory_space<vmem>>[vector<16xi32>], vector<16xf32>, vector<16xi1>
          %min3A_437 = arith.constant 144 : i32
          %min3A_438 = arith.minsi %scan3A_67, %min3A_437 : i32
          %get3A_439 = arith.index_cast %min3A_438 : i32 to index
          %get3A_440 = tpu.vector_load %arg10[%get3A_439] {strides = array<i32>} : memref<160xi32, #tpu.memory_space<vmem>>, vector<16xi32>,
          %sub3A_441 = arith.subi %scan3A_67, %min3A_438 : i32
          %broadcast_in_dim3A_442 = vector.broadcast %sub3A_441 : i32 to vector<16xi32>
          %lt3A_443 = arith.constant 0 : i32
          %lt3A_444 = vector.broadcast %lt3A_443 : i32 to vector<16xi32>
          %lt3A_445 = arith.cmpi slt, %broadcast_in_dim3A_442, %lt3A_444 : vector<16xi32>
          %add3A_446 = arith.constant 16 : i32
          %add3A_447 = vector.broadcast %add3A_446 : i32 to vector<16xi32>
          %add3A_448 = arith.addi %broadcast_in_dim3A_442, %add3A_447 : vector<16xi32>
          %select_n3A_449 = arith.select %lt3A_445, %add3A_448, %broadcast_in_dim3A_442 : vector<16xi1>, vector<16xi32>
          %broadcast_in_dim3A_450 = vector.shape_cast %select_n3A_449 : vector<16xi32> to vector<16x1xi32>
          %gather3A_451 = vector.shape_cast %broadcast_in_dim3A_450 : vector<16x1xi32> to vector<16xi32>
          %gather3A_452 = tpu.dynamic_gather %get3A_440[%gather3A_451] in [0] : vector<16xi32>, vector<16xi32> -> vector<16xi32>
          %broadcast_in_dim3A_453 = vector.broadcast %scan3A_67 : i32 to vector<16xi32>
          %gather3A_454 = tpu.vector_load_idx %arg9[%broadcast_in_dim3A_453, %gather3A_452] : memref<160x100xf32, #tpu.memory_space<vmem>>[vector<16xi32>, vector<16xi32>], vector<16xf32>,
          %sub3A_455 = arith.subf %gather3A_454, %max3A_145 : vector<16xf32>
          %exp3A_456 = math.exp %sub3A_455 : vector<16xf32>
          %div3A_457 = arith.divf %exp3A_456, %add3A_220 : vector<16xf32>
          %mul3A_458 = arith.constant 1.500000e+01 : f32
          %mul3A_459 = vector.broadcast %mul3A_458 : f32 to vector<16xf32>
          %mul3A_460 = arith.mulf %div3A_457, %mul3A_459 : vector<16xf32>
          %convert_element_type3A_461 = arith.fptosi %mul3A_460 : vector<16xf32> to vector<16xi32>
          %min3A_462 = arith.constant 14 : i32
          %min3A_463 = vector.broadcast %min3A_462 : i32 to vector<16xi32>
          %min3A_464 = arith.minsi %convert_element_type3A_461, %min3A_463 : vector<16xi32>
          %shift_left3A_465 = arith.constant 7 : i32
          %shift_left3A_466 = vector.broadcast %shift_left3A_465 : i32 to vector<16xi32>
          %shift_left3A_467 = arith.shli %min3A_464, %shift_left3A_466 : vector<16xi32>
          %add3A_468 = arith.addi %shift_left3A_467, %gather3A_452 : vector<16xi32>
          tpu.vector_store_idx %arg13[%add3A_468], %broadcast_in_dim3A_1 masked %eq3A_5 {add = true} : memref<1920xf32, #tpu.memory_space<vmem>>[vector<16xi32>], vector<16xf32>, vector<16xi1>
          tpu.vector_store_idx %arg14[%gather3A_452], %broadcast_in_dim3A_1 masked %eq3A_5 {add = true} : memref<128xf32, #tpu.memory_space<vmem>>[vector<16xi32>], vector<16xf32>, vector<16xi1>
          %eq3A_469 = arith.cmpi eq, %min3A_339, %gather3A_452 : vector<16xi32>
          %jit3A_470 = arith.constant 1.000000e+00 : f32
          %jit3A_471 = arith.constant 0.000000e+00 : f32
          %broadcast_in_dim3A_472 = vector.broadcast %jit3A_470 : f32 to vector<16xf32>
          %broadcast_in_dim3A_473 = vector.broadcast %jit3A_471 : f32 to vector<16xf32>
          %select_n3A_474 = arith.select %eq3A_469, %broadcast_in_dim3A_472, %broadcast_in_dim3A_473 : vector<16xi1>, vector<16xf32>
          tpu.vector_store_idx %arg15[%gather3A_452], %select_n3A_474 masked %eq3A_5 {add = true} : memref<128xf32, #tpu.memory_space<vmem>>[vector<16xi32>], vector<16xf32>, vector<16xi1>
        }
        %scan3A_66 = arith.constant 160 : i32
      } else {
      }
    }
    %scan3A_51 = arith.constant 11 : i32
    "tpu.region"() ({
      %run_scoped3A = tpu.sem_alloc : memref<!tpu.dma_semaphore, #tpu.memory_space<semaphore_mem>>
      %dma_start3A = arith.constant 0 : i32
      %dma_start3A_52 = tpu.memref_slice %arg4[%add3A, %dma_start3A] : memref<32x1920xf32, #tpu.memory_space<hbm>> -> memref<1x1920xf32, #tpu.memory_space<hbm>>
      %dma_start3A_53 = tpu.memref_squeeze %dma_start3A_52 : memref<1x1920xf32, #tpu.memory_space<hbm>> -> memref<1920xf32, #tpu.memory_space<hbm>>
      %dma_start3A_54 = arith.constant 0 : i32
      %dma_start3A_55 = tpu.memref_slice %arg4[%add3A, %dma_start3A_54] : memref<32x1920xf32, #tpu.memory_space<hbm>> -> memref<1x1920xf32, #tpu.memory_space<hbm>>
      %dma_start3A_56 = tpu.memref_squeeze %dma_start3A_55 : memref<1x1920xf32, #tpu.memory_space<hbm>> -> memref<1920xf32, #tpu.memory_space<hbm>>
      tpu.enqueue_dma source(%arg11 : memref<1920xf32, #tpu.memory_space<vmem>>) target(%dma_start3A_56 : memref<1920xf32, #tpu.memory_space<hbm>>) target_semaphore(%run_scoped3A : memref<!tpu.dma_semaphore, #tpu.memory_space<semaphore_mem>>)
      %dma_wait3A = arith.constant 0 : i32
      %dma_wait3A_57 = tpu.memref_slice %arg4[%add3A, %dma_wait3A] : memref<32x1920xf32, #tpu.memory_space<hbm>> -> memref<1x1920xf32, #tpu.memory_space<hbm>>
      %dma_wait3A_58 = tpu.memref_squeeze %dma_wait3A_57 : memref<1x1920xf32, #tpu.memory_space<hbm>> -> memref<1920xf32, #tpu.memory_space<hbm>>
      %dma_wait3A_59 = arith.constant 0 : i32
      %dma_wait3A_60 = tpu.memref_slice %arg4[%add3A, %dma_wait3A_59] : memref<32x1920xf32, #tpu.memory_space<hbm>> -> memref<1x1920xf32, #tpu.memory_space<hbm>>
      %dma_wait3A_61 = tpu.memref_squeeze %dma_wait3A_60 : memref<1x1920xf32, #tpu.memory_space<hbm>> -> memref<1920xf32, #tpu.memory_space<hbm>>
      tpu.wait_dma2 semaphore(%run_scoped3A : memref<!tpu.dma_semaphore, #tpu.memory_space<semaphore_mem>>) src(%arg11 : memref<1920xf32, #tpu.memory_space<vmem>>) dst(%dma_wait3A_61 : memref<1920xf32, #tpu.memory_space<hbm>>)
      tpu.yield
    }) : () -> ()
    "tpu.region"() ({
      %run_scoped3A = tpu.sem_alloc : memref<!tpu.dma_semaphore, #tpu.memory_space<semaphore_mem>>
      %dma_start3A = arith.constant 0 : i32
      %dma_start3A_52 = tpu.memref_slice %arg5[%add3A, %dma_start3A] : memref<32x1920xf32, #tpu.memory_space<hbm>> -> memref<1x1920xf32, #tpu.memory_space<hbm>>
      %dma_start3A_53 = tpu.memref_squeeze %dma_start3A_52 : memref<1x1920xf32, #tpu.memory_space<hbm>> -> memref<1920xf32, #tpu.memory_space<hbm>>
      %dma_start3A_54 = arith.constant 0 : i32
      %dma_start3A_55 = tpu.memref_slice %arg5[%add3A, %dma_start3A_54] : memref<32x1920xf32, #tpu.memory_space<hbm>> -> memref<1x1920xf32, #tpu.memory_space<hbm>>
      %dma_start3A_56 = tpu.memref_squeeze %dma_start3A_55 : memref<1x1920xf32, #tpu.memory_space<hbm>> -> memref<1920xf32, #tpu.memory_space<hbm>>
      tpu.enqueue_dma source(%arg12 : memref<1920xf32, #tpu.memory_space<vmem>>) target(%dma_start3A_56 : memref<1920xf32, #tpu.memory_space<hbm>>) target_semaphore(%run_scoped3A : memref<!tpu.dma_semaphore, #tpu.memory_space<semaphore_mem>>)
      %dma_wait3A = arith.constant 0 : i32
      %dma_wait3A_57 = tpu.memref_slice %arg5[%add3A, %dma_wait3A] : memref<32x1920xf32, #tpu.memory_space<hbm>> -> memref<1x1920xf32, #tpu.memory_space<hbm>>
      %dma_wait3A_58 = tpu.memref_squeeze %dma_wait3A_57 : memref<1x1920xf32, #tpu.memory_space<hbm>> -> memref<1920xf32, #tpu.memory_space<hbm>>
      %dma_wait3A_59 = arith.constant 0 : i32
      %dma_wait3A_60 = tpu.memref_slice %arg5[%add3A, %dma_wait3A_59] : memref<32x1920xf32, #tpu.memory_space<hbm>> -> memref<1x1920xf32, #tpu.memory_space<hbm>>
      %dma_wait3A_61 = tpu.memref_squeeze %dma_wait3A_60 : memref<1x1920xf32, #tpu.memory_space<hbm>> -> memref<1920xf32, #tpu.memory_space<hbm>>
      tpu.wait_dma2 semaphore(%run_scoped3A : memref<!tpu.dma_semaphore, #tpu.memory_space<semaphore_mem>>) src(%arg12 : memref<1920xf32, #tpu.memory_space<vmem>>) dst(%dma_wait3A_61 : memref<1920xf32, #tpu.memory_space<hbm>>)
      tpu.yield
    }) : () -> ()
    "tpu.region"() ({
      %run_scoped3A = tpu.sem_alloc : memref<!tpu.dma_semaphore, #tpu.memory_space<semaphore_mem>>
      %dma_start3A = arith.constant 0 : i32
      %dma_start3A_52 = tpu.memref_slice %arg6[%add3A, %dma_start3A] : memref<32x1920xf32, #tpu.memory_space<hbm>> -> memref<1x1920xf32, #tpu.memory_space<hbm>>
      %dma_start3A_53 = tpu.memref_squeeze %dma_start3A_52 : memref<1x1920xf32, #tpu.memory_space<hbm>> -> memref<1920xf32, #tpu.memory_space<hbm>>
      %dma_start3A_54 = arith.constant 0 : i32
      %dma_start3A_55 = tpu.memref_slice %arg6[%add3A, %dma_start3A_54] : memref<32x1920xf32, #tpu.memory_space<hbm>> -> memref<1x1920xf32, #tpu.memory_space<hbm>>
      %dma_start3A_56 = tpu.memref_squeeze %dma_start3A_55 : memref<1x1920xf32, #tpu.memory_space<hbm>> -> memref<1920xf32, #tpu.memory_space<hbm>>
      tpu.enqueue_dma source(%arg13 : memref<1920xf32, #tpu.memory_space<vmem>>) target(%dma_start3A_56 : memref<1920xf32, #tpu.memory_space<hbm>>) target_semaphore(%run_scoped3A : memref<!tpu.dma_semaphore, #tpu.memory_space<semaphore_mem>>)
      %dma_wait3A = arith.constant 0 : i32
      %dma_wait3A_57 = tpu.memref_slice %arg6[%add3A, %dma_wait3A] : memref<32x1920xf32, #tpu.memory_space<hbm>> -> memref<1x1920xf32, #tpu.memory_space<hbm>>
      %dma_wait3A_58 = tpu.memref_squeeze %dma_wait3A_57 : memref<1x1920xf32, #tpu.memory_space<hbm>> -> memref<1920xf32, #tpu.memory_space<hbm>>
      %dma_wait3A_59 = arith.constant 0 : i32
      %dma_wait3A_60 = tpu.memref_slice %arg6[%add3A, %dma_wait3A_59] : memref<32x1920xf32, #tpu.memory_space<hbm>> -> memref<1x1920xf32, #tpu.memory_space<hbm>>
      %dma_wait3A_61 = tpu.memref_squeeze %dma_wait3A_60 : memref<1x1920xf32, #tpu.memory_space<hbm>> -> memref<1920xf32, #tpu.memory_space<hbm>>
      tpu.wait_dma2 semaphore(%run_scoped3A : memref<!tpu.dma_semaphore, #tpu.memory_space<semaphore_mem>>) src(%arg13 : memref<1920xf32, #tpu.memory_space<vmem>>) dst(%dma_wait3A_61 : memref<1920xf32, #tpu.memory_space<hbm>>)
      tpu.yield
    }) : () -> ()
    "tpu.region"() ({
      %run_scoped3A = tpu.sem_alloc : memref<!tpu.dma_semaphore, #tpu.memory_space<semaphore_mem>>
      %dma_start3A = arith.constant 0 : i32
      %dma_start3A_52 = tpu.memref_slice %arg7[%add3A, %dma_start3A] : memref<32x128xf32, #tpu.memory_space<hbm>> -> memref<1x128xf32, #tpu.memory_space<hbm>>
      %dma_start3A_53 = tpu.memref_squeeze %dma_start3A_52 : memref<1x128xf32, #tpu.memory_space<hbm>> -> memref<128xf32, #tpu.memory_space<hbm>>
      %dma_start3A_54 = arith.constant 0 : i32
      %dma_start3A_55 = tpu.memref_slice %arg7[%add3A, %dma_start3A_54] : memref<32x128xf32, #tpu.memory_space<hbm>> -> memref<1x128xf32, #tpu.memory_space<hbm>>
      %dma_start3A_56 = tpu.memref_squeeze %dma_start3A_55 : memref<1x128xf32, #tpu.memory_space<hbm>> -> memref<128xf32, #tpu.memory_space<hbm>>
      tpu.enqueue_dma source(%arg14 : memref<128xf32, #tpu.memory_space<vmem>>) target(%dma_start3A_56 : memref<128xf32, #tpu.memory_space<hbm>>) target_semaphore(%run_scoped3A : memref<!tpu.dma_semaphore, #tpu.memory_space<semaphore_mem>>)
      %dma_wait3A = arith.constant 0 : i32
      %dma_wait3A_57 = tpu.memref_slice %arg7[%add3A, %dma_wait3A] : memref<32x128xf32, #tpu.memory_space<hbm>> -> memref<1x128xf32, #tpu.memory_space<hbm>>
      %dma_wait3A_58 = tpu.memref_squeeze %dma_wait3A_57 : memref<1x128xf32, #tpu.memory_space<hbm>> -> memref<128xf32, #tpu.memory_space<hbm>>
      %dma_wait3A_59 = arith.constant 0 : i32
      %dma_wait3A_60 = tpu.memref_slice %arg7[%add3A, %dma_wait3A_59] : memref<32x128xf32, #tpu.memory_space<hbm>> -> memref<1x128xf32, #tpu.memory_space<hbm>>
      %dma_wait3A_61 = tpu.memref_squeeze %dma_wait3A_60 : memref<1x128xf32, #tpu.memory_space<hbm>> -> memref<128xf32, #tpu.memory_space<hbm>>
      tpu.wait_dma2 semaphore(%run_scoped3A : memref<!tpu.dma_semaphore, #tpu.memory_space<semaphore_mem>>) src(%arg14 : memref<128xf32, #tpu.memory_space<vmem>>) dst(%dma_wait3A_61 : memref<128xf32, #tpu.memory_space<hbm>>)
      tpu.yield
    }) : () -> ()
    "tpu.region"() ({
      %run_scoped3A = tpu.sem_alloc : memref<!tpu.dma_semaphore, #tpu.memory_space<semaphore_mem>>
      %dma_start3A = arith.constant 0 : i32
      %dma_start3A_52 = tpu.memref_slice %arg8[%add3A, %dma_start3A] : memref<32x128xf32, #tpu.memory_space<hbm>> -> memref<1x128xf32, #tpu.memory_space<hbm>>
      %dma_start3A_53 = tpu.memref_squeeze %dma_start3A_52 : memref<1x128xf32, #tpu.memory_space<hbm>> -> memref<128xf32, #tpu.memory_space<hbm>>
      %dma_start3A_54 = arith.constant 0 : i32
      %dma_start3A_55 = tpu.memref_slice %arg8[%add3A, %dma_start3A_54] : memref<32x128xf32, #tpu.memory_space<hbm>> -> memref<1x128xf32, #tpu.memory_space<hbm>>
      %dma_start3A_56 = tpu.memref_squeeze %dma_start3A_55 : memref<1x128xf32, #tpu.memory_space<hbm>> -> memref<128xf32, #tpu.memory_space<hbm>>
      tpu.enqueue_dma source(%arg15 : memref<128xf32, #tpu.memory_space<vmem>>) target(%dma_start3A_56 : memref<128xf32, #tpu.memory_space<hbm>>) target_semaphore(%run_scoped3A : memref<!tpu.dma_semaphore, #tpu.memory_space<semaphore_mem>>)
      %dma_wait3A = arith.constant 0 : i32
      %dma_wait3A_57 = tpu.memref_slice %arg8[%add3A, %dma_wait3A] : memref<32x128xf32, #tpu.memory_space<hbm>> -> memref<1x128xf32, #tpu.memory_space<hbm>>
      %dma_wait3A_58 = tpu.memref_squeeze %dma_wait3A_57 : memref<1x128xf32, #tpu.memory_space<hbm>> -> memref<128xf32, #tpu.memory_space<hbm>>
      %dma_wait3A_59 = arith.constant 0 : i32
      %dma_wait3A_60 = tpu.memref_slice %arg8[%add3A, %dma_wait3A_59] : memref<32x128xf32, #tpu.memory_space<hbm>> -> memref<1x128xf32, #tpu.memory_space<hbm>>
      %dma_wait3A_61 = tpu.memref_squeeze %dma_wait3A_60 : memref<1x128xf32, #tpu.memory_space<hbm>> -> memref<128xf32, #tpu.memory_space<hbm>>
      tpu.wait_dma2 semaphore(%run_scoped3A : memref<!tpu.dma_semaphore, #tpu.memory_space<semaphore_mem>>) src(%arg15 : memref<128xf32, #tpu.memory_space<vmem>>) dst(%dma_wait3A_61 : memref<128xf32, #tpu.memory_space<hbm>>)
      tpu.yield
    }) : () -> ()
    return
  }
}

module attributes {stable_mosaic.version = 14 : i64} {
  func.func @_tc_hist_body(%arg0: i32, %arg1: memref<2000x100xf32, #tpu.memory_space<vmem>>, %arg2: memref<2000x1xi32, #tpu.memory_space<vmem>>, %arg3: memref<1x16xf32, #tpu.memory_space<smem>>, %arg4: memref<1x16xf32, #tpu.memory_space<vmem>>, %arg5: memref<120x100xf32, #tpu.memory_space<vmem>>, %arg6: memref<120x100xf32, #tpu.memory_space<vmem>>, %arg7: memref<18x100xf32, #tpu.memory_space<vmem>>) attributes {dimension_semantics = [#tpu.dimension_semantics<arbitrary>], iteration_bounds = array<i64: 22>, scalar_prefetch = 0 : i64, scratch_operands = 0 : i64, tpu.core_type = #tpu.core_type<tc>, window_params = [{transform_indices = @transform_0, window_bounds = array<i64: 2000, 100>}, {transform_indices = @transform_1, window_bounds = array<i64: 2000, 1>}, {transform_indices = @transform_2, window_bounds = array<i64: 1, 16>}, {pipeline_mode = #tpu.pipeline_mode<synchronous>, transform_indices = @transform_3, window_bounds = array<i64: 1, 16>}, {pipeline_mode = #tpu.pipeline_mode<synchronous>, transform_indices = @transform_4, window_bounds = array<i64: 120, 100>}, {pipeline_mode = #tpu.pipeline_mode<synchronous>, transform_indices = @transform_5, window_bounds = array<i64: 120, 100>}, {pipeline_mode = #tpu.pipeline_mode<synchronous>, transform_indices = @transform_6, window_bounds = array<i64: 18, 100>}]} {
    %get3A = arith.constant 0 : index
    %get3A_0 = arith.constant 0 : index
    %get3A_1 = vector.load %arg1[%get3A, %get3A_0] : memref<2000x100xf32, #tpu.memory_space<vmem>>, vector<2000x100xf32>
    %reduce_max3A = arith.constant dense<0xFF800000> : vector<2000xf32>
    %reduce_max3A_2 = vector.multi_reduction <maximumf>, %get3A_1, %reduce_max3A [1] : vector<2000x100xf32> to vector<2000xf32>
    %broadcast_in_dim3A = vector.shape_cast %reduce_max3A_2 : vector<2000xf32> to vector<2000x1xf32>
    %sub3A = vector.broadcast %broadcast_in_dim3A : vector<2000x1xf32> to vector<2000x100xf32>
    %sub3A_3 = arith.subf %get3A_1, %sub3A : vector<2000x100xf32>
    %exp3A = math.exp %sub3A_3 : vector<2000x100xf32>
    %reduce_sum3A = arith.constant dense<0.000000e+00> : vector<2000xf32>
    %reduce_sum3A_4 = vector.multi_reduction <add>, %exp3A, %reduce_sum3A [1] : vector<2000x100xf32> to vector<2000xf32>
    %broadcast_in_dim3A_5 = vector.shape_cast %reduce_sum3A_4 : vector<2000xf32> to vector<2000x1xf32>
    %div3A = vector.broadcast %broadcast_in_dim3A_5 : vector<2000x1xf32> to vector<2000x100xf32>
    %div3A_6 = arith.divf %exp3A, %div3A : vector<2000x100xf32>
    %get3A_7 = arith.constant 0 : index
    %get3A_8 = arith.constant 0 : index
    %get3A_9 = vector.load %arg2[%get3A_7, %get3A_8] : memref<2000x1xi32, #tpu.memory_space<vmem>>, vector<2000x1xi32>
    %iota3A = tpu.iota {dimensions = array<i32: 1>} : vector<2000x100xi32>
    %eq3A = vector.broadcast %get3A_9 : vector<2000x1xi32> to vector<2000x100xi32>
    %eq3A_10 = arith.cmpi eq, %iota3A, %eq3A : vector<2000x100xi32>
    %convert_element_type3A = arith.extui %eq3A_10 : vector<2000x100xi1> to vector<2000x100xi32>
    %convert_element_type3A_11 = arith.sitofp %convert_element_type3A : vector<2000x100xi32> to vector<2000x100xf32>
    %reduce_max3A_12 = arith.constant dense<0xFF800000> : vector<2000xf32>
    %reduce_max3A_13 = vector.multi_reduction <maximumf>, %div3A_6, %reduce_max3A_12 [1] : vector<2000x100xf32> to vector<2000xf32>
    %broadcast_in_dim3A_14 = vector.shape_cast %reduce_max3A_13 : vector<2000xf32> to vector<2000x1xf32>
    %eq3A_15 = vector.broadcast %broadcast_in_dim3A_14 : vector<2000x1xf32> to vector<2000x100xf32>
    %eq3A_16 = arith.cmpf oeq, %div3A_6, %eq3A_15 : vector<2000x100xf32>
    %jit3A = arith.constant 100 : i32
    %broadcast_in_dim3A_17 = vector.broadcast %jit3A : i32 to vector<2000x100xi32>
    %select_n3A = arith.select %eq3A_16, %iota3A, %broadcast_in_dim3A_17 : vector<2000x100xi1>, vector<2000x100xi32>
    %reduce_min3A = arith.constant dense<2147483647> : vector<2000xi32>
    %reduce_min3A_18 = vector.multi_reduction <minsi>, %select_n3A, %reduce_min3A [1] : vector<2000x100xi32> to vector<2000xi32>
    %broadcast_in_dim3A_19 = vector.shape_cast %reduce_min3A_18 : vector<2000xi32> to vector<2000x1xi32>
    %eq3A_20 = arith.cmpi eq, %broadcast_in_dim3A_19, %get3A_9 : vector<2000x1xi32>
    %convert_element_type3A_21 = arith.extui %eq3A_20 : vector<2000x1xi1> to vector<2000x1xi32>
    %convert_element_type3A_22 = arith.sitofp %convert_element_type3A_21 : vector<2000x1xi32> to vector<2000x1xf32>
    %mul3A = arith.mulf %div3A_6, %convert_element_type3A_11 : vector<2000x100xf32>
    %reduce_sum3A_23 = arith.constant dense<0.000000e+00> : vector<2000xf32>
    %reduce_sum3A_24 = vector.multi_reduction <add>, %mul3A, %reduce_sum3A_23 [1] : vector<2000x100xf32> to vector<2000xf32>
    %broadcast_in_dim3A_25 = vector.shape_cast %reduce_sum3A_24 : vector<2000xf32> to vector<2000x1xf32>
    %get3A_26 = arith.constant 0 : index
    %get3A_27 = arith.constant 0 : index
    %get3A_28 = vector.load %arg4[%get3A_26, %get3A_27] : memref<1x16xf32, #tpu.memory_space<vmem>>, vector<1x16xf32>
    %gt3A = vector.broadcast %broadcast_in_dim3A_25 : vector<2000x1xf32> to vector<2000x16xf32>
    %gt3A_29 = vector.broadcast %get3A_28 : vector<1x16xf32> to vector<2000x16xf32>
    %gt3A_30 = arith.cmpf ogt, %gt3A, %gt3A_29 : vector<2000x16xf32>
    %convert_element_type3A_31 = arith.extui %gt3A_30 : vector<2000x16xi1> to vector<2000x16xi32>
    %convert_element_type3A_32 = arith.sitofp %convert_element_type3A_31 : vector<2000x16xi32> to vector<2000x16xf32>
    %broadcast_in_dim3A_33 = arith.constant 1.000000e+00 : f32
    %broadcast_in_dim3A_34 = vector.broadcast %broadcast_in_dim3A_33 : f32 to vector<2000x1xf32>
    %concatenate3A = tpu.concatenate %convert_element_type3A_32, %convert_element_type3A_22, %broadcast_in_dim3A_34 in 1 : vector<2000x16xf32>, vector<2000x1xf32>, vector<2000x1xf32> -> vector<2000x18xf32>
    %dot_general3A = arith.constant dense<0.000000e+00> : vector<18x100xf32>
    %dot_general3A_35 = tpu.matmul %concatenate3A, %convert_element_type3A_11, %dot_general3A {dimension_numbers = #tpu.dot_dimension_numbers<[0], [0], [1], [1], [0, 1, 1, 1], [], []>, transpose_lhs_hint = false} : vector<2000x18xf32>, vector<2000x100xf32>, vector<18x100xf32> -> vector<18x100xf32>
    %reshape3A = vector.shape_cast %div3A_6 : vector<2000x100xf32> to vector<250x8x100xf32>
    %get3A_36 = arith.constant 0 : index
    %get3A_37 = arith.constant 0 : index
    %get3A_38 = memref.load %arg3[%get3A_36, %get3A_37] : memref<1x16xf32, #tpu.memory_space<smem>>
    %gt3A_39 = vector.broadcast %get3A_38 : f32 to vector<250x8x100xf32>
    %gt3A_40 = arith.cmpf ogt, %reshape3A, %gt3A_39 : vector<250x8x100xf32>
    %convert_element_type3A_41 = arith.extui %gt3A_40 : vector<250x8x100xi1> to vector<250x8x100xi32>
    %convert_element_type3A_42 = arith.sitofp %convert_element_type3A_41 : vector<250x8x100xi32> to vector<250x8x100xf32>
    %reduce_sum3A_43 = arith.constant dense<0.000000e+00> : vector<8x100xf32>
    %reduce_sum3A_44 = vector.multi_reduction <add>, %convert_element_type3A_42, %reduce_sum3A_43 [0] : vector<250x8x100xf32> to vector<8x100xf32>
    %jit3A_45 = arith.constant 0.000000e+00 : f32
    %broadcast_in_dim3A_46 = vector.broadcast %jit3A_45 : f32 to vector<250x8x100xf32>
    %select_n3A_47 = arith.select %gt3A_40, %reshape3A, %broadcast_in_dim3A_46 : vector<250x8x100xi1>, vector<250x8x100xf32>
    %reduce_sum3A_48 = arith.constant dense<0.000000e+00> : vector<8x100xf32>
    %reduce_sum3A_49 = vector.multi_reduction <add>, %select_n3A_47, %reduce_sum3A_48 [0] : vector<250x8x100xf32> to vector<8x100xf32>
    %get3A_50 = arith.constant 0 : index
    %get3A_51 = arith.constant 1 : index
    %get3A_52 = memref.load %arg3[%get3A_50, %get3A_51] : memref<1x16xf32, #tpu.memory_space<smem>>
    %gt3A_53 = vector.broadcast %get3A_52 : f32 to vector<250x8x100xf32>
    %gt3A_54 = arith.cmpf ogt, %reshape3A, %gt3A_53 : vector<250x8x100xf32>
    %convert_element_type3A_55 = arith.extui %gt3A_54 : vector<250x8x100xi1> to vector<250x8x100xi32>
    %convert_element_type3A_56 = arith.sitofp %convert_element_type3A_55 : vector<250x8x100xi32> to vector<250x8x100xf32>
    %reduce_sum3A_57 = arith.constant dense<0.000000e+00> : vector<8x100xf32>
    %reduce_sum3A_58 = vector.multi_reduction <add>, %convert_element_type3A_56, %reduce_sum3A_57 [0] : vector<250x8x100xf32> to vector<8x100xf32>
    %jit3A_59 = arith.constant 0.000000e+00 : f32
    %broadcast_in_dim3A_60 = vector.broadcast %jit3A_59 : f32 to vector<250x8x100xf32>
    %select_n3A_61 = arith.select %gt3A_54, %reshape3A, %broadcast_in_dim3A_60 : vector<250x8x100xi1>, vector<250x8x100xf32>
    %reduce_sum3A_62 = arith.constant dense<0.000000e+00> : vector<8x100xf32>
    %reduce_sum3A_63 = vector.multi_reduction <add>, %select_n3A_61, %reduce_sum3A_62 [0] : vector<250x8x100xf32> to vector<8x100xf32>
    %get3A_64 = arith.constant 0 : index
    %get3A_65 = arith.constant 2 : index
    %get3A_66 = memref.load %arg3[%get3A_64, %get3A_65] : memref<1x16xf32, #tpu.memory_space<smem>>
    %gt3A_67 = vector.broadcast %get3A_66 : f32 to vector<250x8x100xf32>
    %gt3A_68 = arith.cmpf ogt, %reshape3A, %gt3A_67 : vector<250x8x100xf32>
    %convert_element_type3A_69 = arith.extui %gt3A_68 : vector<250x8x100xi1> to vector<250x8x100xi32>
    %convert_element_type3A_70 = arith.sitofp %convert_element_type3A_69 : vector<250x8x100xi32> to vector<250x8x100xf32>
    %reduce_sum3A_71 = arith.constant dense<0.000000e+00> : vector<8x100xf32>
    %reduce_sum3A_72 = vector.multi_reduction <add>, %convert_element_type3A_70, %reduce_sum3A_71 [0] : vector<250x8x100xf32> to vector<8x100xf32>
    %jit3A_73 = arith.constant 0.000000e+00 : f32
    %broadcast_in_dim3A_74 = vector.broadcast %jit3A_73 : f32 to vector<250x8x100xf32>
    %select_n3A_75 = arith.select %gt3A_68, %reshape3A, %broadcast_in_dim3A_74 : vector<250x8x100xi1>, vector<250x8x100xf32>
    %reduce_sum3A_76 = arith.constant dense<0.000000e+00> : vector<8x100xf32>
    %reduce_sum3A_77 = vector.multi_reduction <add>, %select_n3A_75, %reduce_sum3A_76 [0] : vector<250x8x100xf32> to vector<8x100xf32>
    %get3A_78 = arith.constant 0 : index
    %get3A_79 = arith.constant 3 : index
    %get3A_80 = memref.load %arg3[%get3A_78, %get3A_79] : memref<1x16xf32, #tpu.memory_space<smem>>
    %gt3A_81 = vector.broadcast %get3A_80 : f32 to vector<250x8x100xf32>
    %gt3A_82 = arith.cmpf ogt, %reshape3A, %gt3A_81 : vector<250x8x100xf32>
    %convert_element_type3A_83 = arith.extui %gt3A_82 : vector<250x8x100xi1> to vector<250x8x100xi32>
    %convert_element_type3A_84 = arith.sitofp %convert_element_type3A_83 : vector<250x8x100xi32> to vector<250x8x100xf32>
    %reduce_sum3A_85 = arith.constant dense<0.000000e+00> : vector<8x100xf32>
    %reduce_sum3A_86 = vector.multi_reduction <add>, %convert_element_type3A_84, %reduce_sum3A_85 [0] : vector<250x8x100xf32> to vector<8x100xf32>
    %jit3A_87 = arith.constant 0.000000e+00 : f32
    %broadcast_in_dim3A_88 = vector.broadcast %jit3A_87 : f32 to vector<250x8x100xf32>
    %select_n3A_89 = arith.select %gt3A_82, %reshape3A, %broadcast_in_dim3A_88 : vector<250x8x100xi1>, vector<250x8x100xf32>
    %reduce_sum3A_90 = arith.constant dense<0.000000e+00> : vector<8x100xf32>
    %reduce_sum3A_91 = vector.multi_reduction <add>, %select_n3A_89, %reduce_sum3A_90 [0] : vector<250x8x100xf32> to vector<8x100xf32>
    %get3A_92 = arith.constant 0 : index
    %get3A_93 = arith.constant 4 : index
    %get3A_94 = memref.load %arg3[%get3A_92, %get3A_93] : memref<1x16xf32, #tpu.memory_space<smem>>
    %gt3A_95 = vector.broadcast %get3A_94 : f32 to vector<250x8x100xf32>
    %gt3A_96 = arith.cmpf ogt, %reshape3A, %gt3A_95 : vector<250x8x100xf32>
    %convert_element_type3A_97 = arith.extui %gt3A_96 : vector<250x8x100xi1> to vector<250x8x100xi32>
    %convert_element_type3A_98 = arith.sitofp %convert_element_type3A_97 : vector<250x8x100xi32> to vector<250x8x100xf32>
    %reduce_sum3A_99 = arith.constant dense<0.000000e+00> : vector<8x100xf32>
    %reduce_sum3A_100 = vector.multi_reduction <add>, %convert_element_type3A_98, %reduce_sum3A_99 [0] : vector<250x8x100xf32> to vector<8x100xf32>
    %jit3A_101 = arith.constant 0.000000e+00 : f32
    %broadcast_in_dim3A_102 = vector.broadcast %jit3A_101 : f32 to vector<250x8x100xf32>
    %select_n3A_103 = arith.select %gt3A_96, %reshape3A, %broadcast_in_dim3A_102 : vector<250x8x100xi1>, vector<250x8x100xf32>
    %reduce_sum3A_104 = arith.constant dense<0.000000e+00> : vector<8x100xf32>
    %reduce_sum3A_105 = vector.multi_reduction <add>, %select_n3A_103, %reduce_sum3A_104 [0] : vector<250x8x100xf32> to vector<8x100xf32>
    %get3A_106 = arith.constant 0 : index
    %get3A_107 = arith.constant 5 : index
    %get3A_108 = memref.load %arg3[%get3A_106, %get3A_107] : memref<1x16xf32, #tpu.memory_space<smem>>
    %gt3A_109 = vector.broadcast %get3A_108 : f32 to vector<250x8x100xf32>
    %gt3A_110 = arith.cmpf ogt, %reshape3A, %gt3A_109 : vector<250x8x100xf32>
    %convert_element_type3A_111 = arith.extui %gt3A_110 : vector<250x8x100xi1> to vector<250x8x100xi32>
    %convert_element_type3A_112 = arith.sitofp %convert_element_type3A_111 : vector<250x8x100xi32> to vector<250x8x100xf32>
    %reduce_sum3A_113 = arith.constant dense<0.000000e+00> : vector<8x100xf32>
    %reduce_sum3A_114 = vector.multi_reduction <add>, %convert_element_type3A_112, %reduce_sum3A_113 [0] : vector<250x8x100xf32> to vector<8x100xf32>
    %jit3A_115 = arith.constant 0.000000e+00 : f32
    %broadcast_in_dim3A_116 = vector.broadcast %jit3A_115 : f32 to vector<250x8x100xf32>
    %select_n3A_117 = arith.select %gt3A_110, %reshape3A, %broadcast_in_dim3A_116 : vector<250x8x100xi1>, vector<250x8x100xf32>
    %reduce_sum3A_118 = arith.constant dense<0.000000e+00> : vector<8x100xf32>
    %reduce_sum3A_119 = vector.multi_reduction <add>, %select_n3A_117, %reduce_sum3A_118 [0] : vector<250x8x100xf32> to vector<8x100xf32>
    %get3A_120 = arith.constant 0 : index
    %get3A_121 = arith.constant 6 : index
    %get3A_122 = memref.load %arg3[%get3A_120, %get3A_121] : memref<1x16xf32, #tpu.memory_space<smem>>
    %gt3A_123 = vector.broadcast %get3A_122 : f32 to vector<250x8x100xf32>
    %gt3A_124 = arith.cmpf ogt, %reshape3A, %gt3A_123 : vector<250x8x100xf32>
    %convert_element_type3A_125 = arith.extui %gt3A_124 : vector<250x8x100xi1> to vector<250x8x100xi32>
    %convert_element_type3A_126 = arith.sitofp %convert_element_type3A_125 : vector<250x8x100xi32> to vector<250x8x100xf32>
    %reduce_sum3A_127 = arith.constant dense<0.000000e+00> : vector<8x100xf32>
    %reduce_sum3A_128 = vector.multi_reduction <add>, %convert_element_type3A_126, %reduce_sum3A_127 [0] : vector<250x8x100xf32> to vector<8x100xf32>
    %jit3A_129 = arith.constant 0.000000e+00 : f32
    %broadcast_in_dim3A_130 = vector.broadcast %jit3A_129 : f32 to vector<250x8x100xf32>
    %select_n3A_131 = arith.select %gt3A_124, %reshape3A, %broadcast_in_dim3A_130 : vector<250x8x100xi1>, vector<250x8x100xf32>
    %reduce_sum3A_132 = arith.constant dense<0.000000e+00> : vector<8x100xf32>
    %reduce_sum3A_133 = vector.multi_reduction <add>, %select_n3A_131, %reduce_sum3A_132 [0] : vector<250x8x100xf32> to vector<8x100xf32>
    %get3A_134 = arith.constant 0 : index
    %get3A_135 = arith.constant 7 : index
    %get3A_136 = memref.load %arg3[%get3A_134, %get3A_135] : memref<1x16xf32, #tpu.memory_space<smem>>
    %gt3A_137 = vector.broadcast %get3A_136 : f32 to vector<250x8x100xf32>
    %gt3A_138 = arith.cmpf ogt, %reshape3A, %gt3A_137 : vector<250x8x100xf32>
    %convert_element_type3A_139 = arith.extui %gt3A_138 : vector<250x8x100xi1> to vector<250x8x100xi32>
    %convert_element_type3A_140 = arith.sitofp %convert_element_type3A_139 : vector<250x8x100xi32> to vector<250x8x100xf32>
    %reduce_sum3A_141 = arith.constant dense<0.000000e+00> : vector<8x100xf32>
    %reduce_sum3A_142 = vector.multi_reduction <add>, %convert_element_type3A_140, %reduce_sum3A_141 [0] : vector<250x8x100xf32> to vector<8x100xf32>
    %jit3A_143 = arith.constant 0.000000e+00 : f32
    %broadcast_in_dim3A_144 = vector.broadcast %jit3A_143 : f32 to vector<250x8x100xf32>
    %select_n3A_145 = arith.select %gt3A_138, %reshape3A, %broadcast_in_dim3A_144 : vector<250x8x100xi1>, vector<250x8x100xf32>
    %reduce_sum3A_146 = arith.constant dense<0.000000e+00> : vector<8x100xf32>
    %reduce_sum3A_147 = vector.multi_reduction <add>, %select_n3A_145, %reduce_sum3A_146 [0] : vector<250x8x100xf32> to vector<8x100xf32>
    %get3A_148 = arith.constant 0 : index
    %get3A_149 = arith.constant 8 : index
    %get3A_150 = memref.load %arg3[%get3A_148, %get3A_149] : memref<1x16xf32, #tpu.memory_space<smem>>
    %gt3A_151 = vector.broadcast %get3A_150 : f32 to vector<250x8x100xf32>
    %gt3A_152 = arith.cmpf ogt, %reshape3A, %gt3A_151 : vector<250x8x100xf32>
    %convert_element_type3A_153 = arith.extui %gt3A_152 : vector<250x8x100xi1> to vector<250x8x100xi32>
    %convert_element_type3A_154 = arith.sitofp %convert_element_type3A_153 : vector<250x8x100xi32> to vector<250x8x100xf32>
    %reduce_sum3A_155 = arith.constant dense<0.000000e+00> : vector<8x100xf32>
    %reduce_sum3A_156 = vector.multi_reduction <add>, %convert_element_type3A_154, %reduce_sum3A_155 [0] : vector<250x8x100xf32> to vector<8x100xf32>
    %jit3A_157 = arith.constant 0.000000e+00 : f32
    %broadcast_in_dim3A_158 = vector.broadcast %jit3A_157 : f32 to vector<250x8x100xf32>
    %select_n3A_159 = arith.select %gt3A_152, %reshape3A, %broadcast_in_dim3A_158 : vector<250x8x100xi1>, vector<250x8x100xf32>
    %reduce_sum3A_160 = arith.constant dense<0.000000e+00> : vector<8x100xf32>
    %reduce_sum3A_161 = vector.multi_reduction <add>, %select_n3A_159, %reduce_sum3A_160 [0] : vector<250x8x100xf32> to vector<8x100xf32>
    %get3A_162 = arith.constant 0 : index
    %get3A_163 = arith.constant 9 : index
    %get3A_164 = memref.load %arg3[%get3A_162, %get3A_163] : memref<1x16xf32, #tpu.memory_space<smem>>
    %gt3A_165 = vector.broadcast %get3A_164 : f32 to vector<250x8x100xf32>
    %gt3A_166 = arith.cmpf ogt, %reshape3A, %gt3A_165 : vector<250x8x100xf32>
    %convert_element_type3A_167 = arith.extui %gt3A_166 : vector<250x8x100xi1> to vector<250x8x100xi32>
    %convert_element_type3A_168 = arith.sitofp %convert_element_type3A_167 : vector<250x8x100xi32> to vector<250x8x100xf32>
    %reduce_sum3A_169 = arith.constant dense<0.000000e+00> : vector<8x100xf32>
    %reduce_sum3A_170 = vector.multi_reduction <add>, %convert_element_type3A_168, %reduce_sum3A_169 [0] : vector<250x8x100xf32> to vector<8x100xf32>
    %jit3A_171 = arith.constant 0.000000e+00 : f32
    %broadcast_in_dim3A_172 = vector.broadcast %jit3A_171 : f32 to vector<250x8x100xf32>
    %select_n3A_173 = arith.select %gt3A_166, %reshape3A, %broadcast_in_dim3A_172 : vector<250x8x100xi1>, vector<250x8x100xf32>
    %reduce_sum3A_174 = arith.constant dense<0.000000e+00> : vector<8x100xf32>
    %reduce_sum3A_175 = vector.multi_reduction <add>, %select_n3A_173, %reduce_sum3A_174 [0] : vector<250x8x100xf32> to vector<8x100xf32>
    %get3A_176 = arith.constant 0 : index
    %get3A_177 = arith.constant 10 : index
    %get3A_178 = memref.load %arg3[%get3A_176, %get3A_177] : memref<1x16xf32, #tpu.memory_space<smem>>
    %gt3A_179 = vector.broadcast %get3A_178 : f32 to vector<250x8x100xf32>
    %gt3A_180 = arith.cmpf ogt, %reshape3A, %gt3A_179 : vector<250x8x100xf32>
    %convert_element_type3A_181 = arith.extui %gt3A_180 : vector<250x8x100xi1> to vector<250x8x100xi32>
    %convert_element_type3A_182 = arith.sitofp %convert_element_type3A_181 : vector<250x8x100xi32> to vector<250x8x100xf32>
    %reduce_sum3A_183 = arith.constant dense<0.000000e+00> : vector<8x100xf32>
    %reduce_sum3A_184 = vector.multi_reduction <add>, %convert_element_type3A_182, %reduce_sum3A_183 [0] : vector<250x8x100xf32> to vector<8x100xf32>
    %jit3A_185 = arith.constant 0.000000e+00 : f32
    %broadcast_in_dim3A_186 = vector.broadcast %jit3A_185 : f32 to vector<250x8x100xf32>
    %select_n3A_187 = arith.select %gt3A_180, %reshape3A, %broadcast_in_dim3A_186 : vector<250x8x100xi1>, vector<250x8x100xf32>
    %reduce_sum3A_188 = arith.constant dense<0.000000e+00> : vector<8x100xf32>
    %reduce_sum3A_189 = vector.multi_reduction <add>, %select_n3A_187, %reduce_sum3A_188 [0] : vector<250x8x100xf32> to vector<8x100xf32>
    %get3A_190 = arith.constant 0 : index
    %get3A_191 = arith.constant 11 : index
    %get3A_192 = memref.load %arg3[%get3A_190, %get3A_191] : memref<1x16xf32, #tpu.memory_space<smem>>
    %gt3A_193 = vector.broadcast %get3A_192 : f32 to vector<250x8x100xf32>
    %gt3A_194 = arith.cmpf ogt, %reshape3A, %gt3A_193 : vector<250x8x100xf32>
    %convert_element_type3A_195 = arith.extui %gt3A_194 : vector<250x8x100xi1> to vector<250x8x100xi32>
    %convert_element_type3A_196 = arith.sitofp %convert_element_type3A_195 : vector<250x8x100xi32> to vector<250x8x100xf32>
    %reduce_sum3A_197 = arith.constant dense<0.000000e+00> : vector<8x100xf32>
    %reduce_sum3A_198 = vector.multi_reduction <add>, %convert_element_type3A_196, %reduce_sum3A_197 [0] : vector<250x8x100xf32> to vector<8x100xf32>
    %jit3A_199 = arith.constant 0.000000e+00 : f32
    %broadcast_in_dim3A_200 = vector.broadcast %jit3A_199 : f32 to vector<250x8x100xf32>
    %select_n3A_201 = arith.select %gt3A_194, %reshape3A, %broadcast_in_dim3A_200 : vector<250x8x100xi1>, vector<250x8x100xf32>
    %reduce_sum3A_202 = arith.constant dense<0.000000e+00> : vector<8x100xf32>
    %reduce_sum3A_203 = vector.multi_reduction <add>, %select_n3A_201, %reduce_sum3A_202 [0] : vector<250x8x100xf32> to vector<8x100xf32>
    %get3A_204 = arith.constant 0 : index
    %get3A_205 = arith.constant 12 : index
    %get3A_206 = memref.load %arg3[%get3A_204, %get3A_205] : memref<1x16xf32, #tpu.memory_space<smem>>
    %gt3A_207 = vector.broadcast %get3A_206 : f32 to vector<250x8x100xf32>
    %gt3A_208 = arith.cmpf ogt, %reshape3A, %gt3A_207 : vector<250x8x100xf32>
    %convert_element_type3A_209 = arith.extui %gt3A_208 : vector<250x8x100xi1> to vector<250x8x100xi32>
    %convert_element_type3A_210 = arith.sitofp %convert_element_type3A_209 : vector<250x8x100xi32> to vector<250x8x100xf32>
    %reduce_sum3A_211 = arith.constant dense<0.000000e+00> : vector<8x100xf32>
    %reduce_sum3A_212 = vector.multi_reduction <add>, %convert_element_type3A_210, %reduce_sum3A_211 [0] : vector<250x8x100xf32> to vector<8x100xf32>
    %jit3A_213 = arith.constant 0.000000e+00 : f32
    %broadcast_in_dim3A_214 = vector.broadcast %jit3A_213 : f32 to vector<250x8x100xf32>
    %select_n3A_215 = arith.select %gt3A_208, %reshape3A, %broadcast_in_dim3A_214 : vector<250x8x100xi1>, vector<250x8x100xf32>
    %reduce_sum3A_216 = arith.constant dense<0.000000e+00> : vector<8x100xf32>
    %reduce_sum3A_217 = vector.multi_reduction <add>, %select_n3A_215, %reduce_sum3A_216 [0] : vector<250x8x100xf32> to vector<8x100xf32>
    %get3A_218 = arith.constant 0 : index
    %get3A_219 = arith.constant 13 : index
    %get3A_220 = memref.load %arg3[%get3A_218, %get3A_219] : memref<1x16xf32, #tpu.memory_space<smem>>
    %gt3A_221 = vector.broadcast %get3A_220 : f32 to vector<250x8x100xf32>
    %gt3A_222 = arith.cmpf ogt, %reshape3A, %gt3A_221 : vector<250x8x100xf32>
    %convert_element_type3A_223 = arith.extui %gt3A_222 : vector<250x8x100xi1> to vector<250x8x100xi32>
    %convert_element_type3A_224 = arith.sitofp %convert_element_type3A_223 : vector<250x8x100xi32> to vector<250x8x100xf32>
    %reduce_sum3A_225 = arith.constant dense<0.000000e+00> : vector<8x100xf32>
    %reduce_sum3A_226 = vector.multi_reduction <add>, %convert_element_type3A_224, %reduce_sum3A_225 [0] : vector<250x8x100xf32> to vector<8x100xf32>
    %jit3A_227 = arith.constant 0.000000e+00 : f32
    %broadcast_in_dim3A_228 = vector.broadcast %jit3A_227 : f32 to vector<250x8x100xf32>
    %select_n3A_229 = arith.select %gt3A_222, %reshape3A, %broadcast_in_dim3A_228 : vector<250x8x100xi1>, vector<250x8x100xf32>
    %reduce_sum3A_230 = arith.constant dense<0.000000e+00> : vector<8x100xf32>
    %reduce_sum3A_231 = vector.multi_reduction <add>, %select_n3A_229, %reduce_sum3A_230 [0] : vector<250x8x100xf32> to vector<8x100xf32>
    %get3A_232 = arith.constant 0 : index
    %get3A_233 = arith.constant 14 : index
    %get3A_234 = memref.load %arg3[%get3A_232, %get3A_233] : memref<1x16xf32, #tpu.memory_space<smem>>
    %gt3A_235 = vector.broadcast %get3A_234 : f32 to vector<250x8x100xf32>
    %gt3A_236 = arith.cmpf ogt, %reshape3A, %gt3A_235 : vector<250x8x100xf32>
    %convert_element_type3A_237 = arith.extui %gt3A_236 : vector<250x8x100xi1> to vector<250x8x100xi32>
    %convert_element_type3A_238 = arith.sitofp %convert_element_type3A_237 : vector<250x8x100xi32> to vector<250x8x100xf32>
    %reduce_sum3A_239 = arith.constant dense<0.000000e+00> : vector<8x100xf32>
    %reduce_sum3A_240 = vector.multi_reduction <add>, %convert_element_type3A_238, %reduce_sum3A_239 [0] : vector<250x8x100xf32> to vector<8x100xf32>
    %jit3A_241 = arith.constant 0.000000e+00 : f32
    %broadcast_in_dim3A_242 = vector.broadcast %jit3A_241 : f32 to vector<250x8x100xf32>
    %select_n3A_243 = arith.select %gt3A_236, %reshape3A, %broadcast_in_dim3A_242 : vector<250x8x100xi1>, vector<250x8x100xf32>
    %reduce_sum3A_244 = arith.constant dense<0.000000e+00> : vector<8x100xf32>
    %reduce_sum3A_245 = vector.multi_reduction <add>, %select_n3A_243, %reduce_sum3A_244 [0] : vector<250x8x100xf32> to vector<8x100xf32>
    %concatenate3A_246 = tpu.concatenate %reduce_sum3A_44, %reduce_sum3A_58, %reduce_sum3A_72, %reduce_sum3A_86, %reduce_sum3A_100, %reduce_sum3A_114, %reduce_sum3A_128, %reduce_sum3A_142, %reduce_sum3A_156, %reduce_sum3A_170, %reduce_sum3A_184, %reduce_sum3A_198, %reduce_sum3A_212, %reduce_sum3A_226, %reduce_sum3A_240 in 0 : vector<8x100xf32>, vector<8x100xf32>, vector<8x100xf32>, vector<8x100xf32>, vector<8x100xf32>, vector<8x100xf32>, vector<8x100xf32>, vector<8x100xf32>, vector<8x100xf32>, vector<8x100xf32>, vector<8x100xf32>, vector<8x100xf32>, vector<8x100xf32>, vector<8x100xf32>, vector<8x100xf32> -> vector<120x100xf32>
    %concatenate3A_247 = tpu.concatenate %reduce_sum3A_49, %reduce_sum3A_63, %reduce_sum3A_77, %reduce_sum3A_91, %reduce_sum3A_105, %reduce_sum3A_119, %reduce_sum3A_133, %reduce_sum3A_147, %reduce_sum3A_161, %reduce_sum3A_175, %reduce_sum3A_189, %reduce_sum3A_203, %reduce_sum3A_217, %reduce_sum3A_231, %reduce_sum3A_245 in 0 : vector<8x100xf32>, vector<8x100xf32>, vector<8x100xf32>, vector<8x100xf32>, vector<8x100xf32>, vector<8x100xf32>, vector<8x100xf32>, vector<8x100xf32>, vector<8x100xf32>, vector<8x100xf32>, vector<8x100xf32>, vector<8x100xf32>, vector<8x100xf32>, vector<8x100xf32>, vector<8x100xf32> -> vector<120x100xf32>
    %eq3A_248 = arith.constant 0 : i32
    %eq3A_249 = arith.cmpi eq, %arg0, %eq3A_248 : i32
    %convert_element_type3A_250 = arith.extui %eq3A_249 : i1 to i32
    %cond3A = arith.constant 0 : i32
    %cond3A_251 = arith.cmpi ne, %convert_element_type3A_250, %cond3A : i32
    scf.if %cond3A_251 {
      %broadcast_in_dim3A_271 = arith.constant 0.000000e+00 : f32
      %broadcast_in_dim3A_272 = vector.broadcast %broadcast_in_dim3A_271 : f32 to vector<120x100xf32>
      %swap3A_273 = arith.constant 0 : index
      %swap3A_274 = arith.constant 0 : index
      %swap3A_275 = vector.load %arg5[%swap3A_273, %swap3A_274] : memref<120x100xf32, #tpu.memory_space<vmem>>, vector<120x100xf32>
      tpu.vector_store %arg5[%swap3A_273, %swap3A_274], %broadcast_in_dim3A_272 {strides = array<i32>} : memref<120x100xf32, #tpu.memory_space<vmem>>, vector<120x100xf32>,
      %broadcast_in_dim3A_276 = arith.constant 0.000000e+00 : f32
      %broadcast_in_dim3A_277 = vector.broadcast %broadcast_in_dim3A_276 : f32 to vector<120x100xf32>
      %swap3A_278 = arith.constant 0 : index
      %swap3A_279 = arith.constant 0 : index
      %swap3A_280 = vector.load %arg6[%swap3A_278, %swap3A_279] : memref<120x100xf32, #tpu.memory_space<vmem>>, vector<120x100xf32>
      tpu.vector_store %arg6[%swap3A_278, %swap3A_279], %broadcast_in_dim3A_277 {strides = array<i32>} : memref<120x100xf32, #tpu.memory_space<vmem>>, vector<120x100xf32>,
      %broadcast_in_dim3A_281 = arith.constant 0.000000e+00 : f32
      %broadcast_in_dim3A_282 = vector.broadcast %broadcast_in_dim3A_281 : f32 to vector<18x100xf32>
      %swap3A_283 = arith.constant 0 : index
      %swap3A_284 = arith.constant 0 : index
      %swap3A_285 = vector.load %arg7[%swap3A_283, %swap3A_284] : memref<18x100xf32, #tpu.memory_space<vmem>>, vector<18x100xf32>
      tpu.vector_store %arg7[%swap3A_283, %swap3A_284], %broadcast_in_dim3A_282 {strides = array<i32>} : memref<18x100xf32, #tpu.memory_space<vmem>>, vector<18x100xf32>,
    } else {
    }
    %get3A_252 = arith.constant 0 : index
    %get3A_253 = arith.constant 0 : index
    %get3A_254 = vector.load %arg5[%get3A_252, %get3A_253] : memref<120x100xf32, #tpu.memory_space<vmem>>, vector<120x100xf32>
    %add3A = arith.addf %get3A_254, %concatenate3A_246 : vector<120x100xf32>
    %swap3A = arith.constant 0 : index
    %swap3A_255 = arith.constant 0 : index
    %swap3A_256 = vector.load %arg5[%swap3A, %swap3A_255] : memref<120x100xf32, #tpu.memory_space<vmem>>, vector<120x100xf32>
    tpu.vector_store %arg5[%swap3A, %swap3A_255], %add3A {strides = array<i32>} : memref<120x100xf32, #tpu.memory_space<vmem>>, vector<120x100xf32>,
    %get3A_257 = arith.constant 0 : index
    %get3A_258 = arith.constant 0 : index
    %get3A_259 = vector.load %arg6[%get3A_257, %get3A_258] : memref<120x100xf32, #tpu.memory_space<vmem>>, vector<120x100xf32>
    %add3A_260 = arith.addf %get3A_259, %concatenate3A_247 : vector<120x100xf32>
    %swap3A_261 = arith.constant 0 : index
    %swap3A_262 = arith.constant 0 : index
    %swap3A_263 = vector.load %arg6[%swap3A_261, %swap3A_262] : memref<120x100xf32, #tpu.memory_space<vmem>>, vector<120x100xf32>
    tpu.vector_store %arg6[%swap3A_261, %swap3A_262], %add3A_260 {strides = array<i32>} : memref<120x100xf32, #tpu.memory_space<vmem>>, vector<120x100xf32>,
    %get3A_264 = arith.constant 0 : index
    %get3A_265 = arith.constant 0 : index
    %get3A_266 = vector.load %arg7[%get3A_264, %get3A_265] : memref<18x100xf32, #tpu.memory_space<vmem>>, vector<18x100xf32>
    %add3A_267 = arith.addf %get3A_266, %dot_general3A_35 : vector<18x100xf32>
    %swap3A_268 = arith.constant 0 : index
    %swap3A_269 = arith.constant 0 : index
    %swap3A_270 = vector.load %arg7[%swap3A_268, %swap3A_269] : memref<18x100xf32, #tpu.memory_space<vmem>>, vector<18x100xf32>
    tpu.vector_store %arg7[%swap3A_268, %swap3A_269], %add3A_267 {strides = array<i32>} : memref<18x100xf32, #tpu.memory_space<vmem>>, vector<18x100xf32>,
    return
  }
  func.func @transform_0(%arg0: i32) -> (i32, i32) {
    %c0_i32 = arith.constant 0 : i32
    %c0_i32_0 = arith.constant 0 : i32
    return %arg0, %c0_i32 : i32, i32
  }
  func.func @transform_1(%arg0: i32) -> (i32, i32) {
    %c0_i32 = arith.constant 0 : i32
    %c0_i32_0 = arith.constant 0 : i32
    return %arg0, %c0_i32 : i32, i32
  }
  func.func @transform_2(%arg0: i32) -> (i32, i32) {
    %c0_i32 = arith.constant 0 : i32
    %c0_i32_0 = arith.constant 0 : i32
    %c0_i32_1 = arith.constant 0 : i32
    return %c0_i32, %c0_i32_0 : i32, i32
  }
  func.func @transform_3(%arg0: i32) -> (i32, i32) {
    %c0_i32 = arith.constant 0 : i32
    %c0_i32_0 = arith.constant 0 : i32
    %c0_i32_1 = arith.constant 0 : i32
    return %c0_i32, %c0_i32_0 : i32, i32
  }
  func.func @transform_4(%arg0: i32) -> (i32, i32) {
    %c0_i32 = arith.constant 0 : i32
    %c0_i32_0 = arith.constant 0 : i32
    %c0_i32_1 = arith.constant 0 : i32
    return %c0_i32, %c0_i32_0 : i32, i32
  }
  func.func @transform_5(%arg0: i32) -> (i32, i32) {
    %c0_i32 = arith.constant 0 : i32
    %c0_i32_0 = arith.constant 0 : i32
    %c0_i32_1 = arith.constant 0 : i32
    return %c0_i32, %c0_i32_0 : i32, i32
  }
  func.func @transform_6(%arg0: i32) -> (i32, i32) {
    %c0_i32 = arith.constant 0 : i32
    %c0_i32_0 = arith.constant 0 : i32
    %c0_i32_1 = arith.constant 0 : i32
    return %c0_i32, %c0_i32_0 : i32, i32
  }
}

module attributes {stable_mosaic.version = 14 : i64} {
  func.func @_fin_body(%arg0: memref<120x100xf32, #tpu.memory_space<vmem>>, %arg1: memref<120x100xf32, #tpu.memory_space<vmem>>, %arg2: memref<18x100xf32, #tpu.memory_space<vmem>>, %arg3: memref<32x15x128xf32, #tpu.memory_space<vmem>>, %arg4: memref<32x15x128xf32, #tpu.memory_space<vmem>>, %arg5: memref<32x15x128xf32, #tpu.memory_space<vmem>>, %arg6: memref<32x128xf32, #tpu.memory_space<vmem>>, %arg7: memref<32x128xf32, #tpu.memory_space<vmem>>, %arg8: memref<1x100xf32, #tpu.memory_space<vmem>>, %arg9: memref<1x100xf32, #tpu.memory_space<vmem>>) attributes {dimension_semantics = [], scalar_prefetch = 0 : i64, scratch_operands = 0 : i64, tpu.core_type = #tpu.core_type<tc>} {
    %get3A = arith.constant 0 : index
    %get3A_0 = arith.constant 0 : index
    %get3A_1 = vector.load %arg0[%get3A, %get3A_0] : memref<120x100xf32, #tpu.memory_space<vmem>>, vector<120x100xf32>
    %reshape3A = vector.shape_cast %get3A_1 : vector<120x100xf32> to vector<15x8x100xf32>
    %reduce_sum3A = arith.constant dense<0.000000e+00> : vector<15x100xf32>
    %reduce_sum3A_2 = vector.multi_reduction <add>, %reshape3A, %reduce_sum3A [1] : vector<15x8x100xf32> to vector<15x100xf32>
    %get3A_3 = arith.constant 0 : index
    %get3A_4 = arith.constant 0 : index
    %get3A_5 = vector.load %arg1[%get3A_3, %get3A_4] : memref<120x100xf32, #tpu.memory_space<vmem>>, vector<120x100xf32>
    %reshape3A_6 = vector.shape_cast %get3A_5 : vector<120x100xf32> to vector<15x8x100xf32>
    %reduce_sum3A_7 = arith.constant dense<0.000000e+00> : vector<15x100xf32>
    %reduce_sum3A_8 = vector.multi_reduction <add>, %reshape3A_6, %reduce_sum3A_7 [1] : vector<15x8x100xf32> to vector<15x100xf32>
    %get3A_9 = arith.constant 0 : index
    %get3A_10 = arith.constant 0 : index
    %get3A_11 = vector.load %arg2[%get3A_9, %get3A_10] : memref<18x100xf32, #tpu.memory_space<vmem>>, vector<18x100xf32>
    %broadcast_in_dim3A = arith.constant 0.000000e+00 : f32
    %broadcast_in_dim3A_12 = vector.broadcast %broadcast_in_dim3A : f32 to vector<1x100xf32>
    %get3A_13 = arith.constant 0 : index
    %get3A_14 = arith.constant 0 : index
    %get3A_15 = arith.constant 0 : index
    %get3A_16 = vector.load %arg3[%get3A_13, %get3A_14, %get3A_15] : memref<32x15x128xf32, #tpu.memory_space<vmem>>, vector<32x15x128xf32>
    %reduce_sum3A_17 = arith.constant dense<0.000000e+00> : vector<15x128xf32>
    %reduce_sum3A_18 = vector.multi_reduction <add>, %get3A_16, %reduce_sum3A_17 [0] : vector<32x15x128xf32> to vector<15x128xf32>
    %slice3A = vector.extract_strided_slice %reduce_sum3A_18 {offsets = [0, 0], sizes = [15, 100], strides = [1, 1]} : vector<15x128xf32> to vector<15x100xf32>
    %get3A_19 = arith.constant 0 : index
    %get3A_20 = arith.constant 0 : index
    %get3A_21 = arith.constant 0 : index
    %get3A_22 = vector.load %arg4[%get3A_19, %get3A_20, %get3A_21] : memref<32x15x128xf32, #tpu.memory_space<vmem>>, vector<32x15x128xf32>
    %reduce_sum3A_23 = arith.constant dense<0.000000e+00> : vector<15x128xf32>
    %reduce_sum3A_24 = vector.multi_reduction <add>, %get3A_22, %reduce_sum3A_23 [0] : vector<32x15x128xf32> to vector<15x128xf32>
    %slice3A_25 = vector.extract_strided_slice %reduce_sum3A_24 {offsets = [0, 0], sizes = [15, 100], strides = [1, 1]} : vector<15x128xf32> to vector<15x100xf32>
    %get3A_26 = arith.constant 0 : index
    %get3A_27 = arith.constant 0 : index
    %get3A_28 = arith.constant 0 : index
    %get3A_29 = vector.load %arg5[%get3A_26, %get3A_27, %get3A_28] : memref<32x15x128xf32, #tpu.memory_space<vmem>>, vector<32x15x128xf32>
    %reduce_sum3A_30 = arith.constant dense<0.000000e+00> : vector<15x128xf32>
    %reduce_sum3A_31 = vector.multi_reduction <add>, %get3A_29, %reduce_sum3A_30 [0] : vector<32x15x128xf32> to vector<15x128xf32>
    %slice3A_32 = vector.extract_strided_slice %reduce_sum3A_31 {offsets = [0, 0], sizes = [15, 100], strides = [1, 1]} : vector<15x128xf32> to vector<15x100xf32>
    %get3A_33 = arith.constant 0 : index
    %get3A_34 = arith.constant 0 : index
    %get3A_35 = vector.load %arg6[%get3A_33, %get3A_34] : memref<32x128xf32, #tpu.memory_space<vmem>>, vector<32x128xf32>
    %reduce_sum3A_36 = arith.constant dense<0.000000e+00> : vector<128xf32>
    %reduce_sum3A_37 = vector.multi_reduction <add>, %get3A_35, %reduce_sum3A_36 [0] : vector<32x128xf32> to vector<128xf32>
    %broadcast_in_dim3A_38 = vector.shape_cast %reduce_sum3A_37 : vector<128xf32> to vector<1x128xf32>
    %slice3A_39 = vector.extract_strided_slice %broadcast_in_dim3A_38 {offsets = [0, 0], sizes = [1, 100], strides = [1, 1]} : vector<1x128xf32> to vector<1x100xf32>
    %get3A_40 = arith.constant 0 : index
    %get3A_41 = arith.constant 0 : index
    %get3A_42 = vector.load %arg7[%get3A_40, %get3A_41] : memref<32x128xf32, #tpu.memory_space<vmem>>, vector<32x128xf32>
    %reduce_sum3A_43 = arith.constant dense<0.000000e+00> : vector<128xf32>
    %reduce_sum3A_44 = vector.multi_reduction <add>, %get3A_42, %reduce_sum3A_43 [0] : vector<32x128xf32> to vector<128xf32>
    %broadcast_in_dim3A_45 = vector.shape_cast %reduce_sum3A_44 : vector<128xf32> to vector<1x128xf32>
    %slice3A_46 = vector.extract_strided_slice %broadcast_in_dim3A_45 {offsets = [0, 0], sizes = [1, 100], strides = [1, 1]} : vector<1x128xf32> to vector<1x100xf32>
    %slice3A_47 = vector.extract_strided_slice %reduce_sum3A_2 {offsets = [1, 0], sizes = [14, 100], strides = [1, 1]} : vector<15x100xf32> to vector<14x100xf32>
    %concatenate3A = tpu.concatenate %slice3A_47, %broadcast_in_dim3A_12 in 0 : vector<14x100xf32>, vector<1x100xf32> -> vector<15x100xf32>
    %sub3A = arith.subf %reduce_sum3A_2, %concatenate3A : vector<15x100xf32>
    %add3A = arith.addf %sub3A, %slice3A : vector<15x100xf32>
    %slice3A_48 = vector.extract_strided_slice %reduce_sum3A_8 {offsets = [1, 0], sizes = [14, 100], strides = [1, 1]} : vector<15x100xf32> to vector<14x100xf32>
    %concatenate3A_49 = tpu.concatenate %slice3A_48, %broadcast_in_dim3A_12 in 0 : vector<14x100xf32>, vector<1x100xf32> -> vector<15x100xf32>
    %sub3A_50 = arith.subf %reduce_sum3A_8, %concatenate3A_49 : vector<15x100xf32>
    %add3A_51 = arith.addf %sub3A_50, %slice3A_25 : vector<15x100xf32>
    %slice3A_52 = vector.extract_strided_slice %get3A_11 {offsets = [0, 0], sizes = [15, 100], strides = [1, 1]} : vector<18x100xf32> to vector<15x100xf32>
    %slice3A_53 = vector.extract_strided_slice %get3A_11 {offsets = [1, 0], sizes = [15, 100], strides = [1, 1]} : vector<18x100xf32> to vector<15x100xf32>
    %sub3A_54 = arith.subf %slice3A_52, %slice3A_53 : vector<15x100xf32>
    %add3A_55 = arith.addf %sub3A_54, %slice3A_32 : vector<15x100xf32>
    %slice3A_56 = vector.extract_strided_slice %get3A_11 {offsets = [16, 0], sizes = [1, 100], strides = [1, 1]} : vector<18x100xf32> to vector<1x100xf32>
    %add3A_57 = arith.addf %slice3A_56, %slice3A_46 : vector<1x100xf32>
    %slice3A_58 = vector.extract_strided_slice %get3A_11 {offsets = [17, 0], sizes = [1, 100], strides = [1, 1]} : vector<18x100xf32> to vector<1x100xf32>
    %add3A_59 = arith.addf %slice3A_58, %slice3A_39 : vector<1x100xf32>
    %div3A = arith.constant 1.000000e+05 : f32
    %div3A_60 = vector.broadcast %div3A : f32 to vector<15x100xf32>
    %div3A_61 = arith.divf %add3A, %div3A_60 : vector<15x100xf32>
    %max3A = arith.constant 1.000000e+00 : f32
    %max3A_62 = vector.broadcast %max3A : f32 to vector<15x100xf32>
    %max3A_63 = arith.maximumf %add3A, %max3A_62 : vector<15x100xf32>
    %gt3A = arith.constant 0.000000e+00 : f32
    %gt3A_64 = vector.broadcast %gt3A : f32 to vector<15x100xf32>
    %gt3A_65 = arith.cmpf ogt, %add3A, %gt3A_64 : vector<15x100xf32>
    %div3A_66 = arith.divf %add3A_51, %max3A_63 : vector<15x100xf32>
    %div3A_67 = arith.divf %add3A_55, %max3A_63 : vector<15x100xf32>
    %sub3A_68 = arith.subf %div3A_66, %div3A_67 : vector<15x100xf32>
    %abs3A = math.absf %sub3A_68 : vector<15x100xf32>
    %mul3A = arith.mulf %abs3A, %div3A_61 : vector<15x100xf32>
    %jit3A = arith.constant 0.000000e+00 : f32
    %broadcast_in_dim3A_69 = vector.broadcast %jit3A : f32 to vector<15x100xf32>
    %select_n3A = arith.select %gt3A_65, %mul3A, %broadcast_in_dim3A_69 : vector<15x100xi1>, vector<15x100xf32>
    %reduce_sum3A_70 = arith.constant dense<0.000000e+00> : vector<100xf32>
    %reduce_sum3A_71 = vector.multi_reduction <add>, %select_n3A, %reduce_sum3A_70 [0] : vector<15x100xf32> to vector<100xf32>
    %broadcast_in_dim3A_72 = vector.shape_cast %reduce_sum3A_71 : vector<100xf32> to vector<1x100xf32>
    %swap3A = arith.constant 0 : index
    %swap3A_73 = arith.constant 0 : index
    %swap3A_74 = vector.load %arg8[%swap3A, %swap3A_73] : memref<1x100xf32, #tpu.memory_space<vmem>>, vector<1x100xf32>
    tpu.vector_store %arg8[%swap3A, %swap3A_73], %broadcast_in_dim3A_72 {strides = array<i32>} : memref<1x100xf32, #tpu.memory_space<vmem>>, vector<1x100xf32>,
    %div3A_75 = arith.divf %add3A_57, %add3A_59 : vector<1x100xf32>
    %swap3A_76 = arith.constant 0 : index
    %swap3A_77 = arith.constant 0 : index
    %swap3A_78 = vector.load %arg9[%swap3A_76, %swap3A_77] : memref<1x100xf32, #tpu.memory_space<vmem>>, vector<1x100xf32>
    tpu.vector_store %arg9[%swap3A_76, %swap3A_77], %div3A_75 {strides = array<i32>} : memref<1x100xf32, #tpu.memory_space<vmem>>, vector<1x100xf32>,
    return
  }
}

</mosaic_0001>

<sc_bundles>
// kernel: kernel.5.cloned.1.call-start
scs
__scs_entry_jumppad:
0x0: {  	(pc) =	sbr.rel $0x88, $3  }
0x1: {  	(tag) =	ssettag $0x0;
	lr =	simm.s32 $0x1  }
0x2: {  	[smem:$0x3F9F] =	sst lr;
	_ =	strace $0xD0000000  }
0x3: {  	_ = 	snop  }
0x4: {  	_ = 	snop  }
0x5: {  	_ = 	snop  }
0x6: {  	_ = 	snop  }
0x7: {  	_ = 	snop  }
__scs_overlays_trampoline_lowered:
0x8: {  	[smem:$0x3FAE] =	sst s0  }
0x9: {  	[smem:$0x3FAF] =	sst s1  }
0xa: {  	[smem:$0x3FB0] =	sst s2  }
0xb: {  	[smem:$0x3FB1] =	sst s3  }
0xc: {  	[smem:$0x3FB2] =	sst s4  }
0xd: {  	[smem:$0x3FB3] =	sst s5  }
0xe: {  	[smem:$0x3FB4] =	sst s6  }
0xf: {  	[smem:$0x3FB5] =	sst s7  }
0x10: {  	[smem:$0x3FB6] =	sst s8  }
0x11: {  	[smem:$0x3FB7] =	sst s9;
	s0 =	simm.s32 @!p0 $0x0  }
0x12: {  	s1 =	sld [smem:$0x3F9D];
	s0 =	simm.s32 @p0 $0x1  }
0x13: {  	[smem:$0x3FB8] =	sst s0;
	s0 =	simm.s32 @!p1 $0x0  }
0x14: {  	s2 =	sld [smem:$0x3F9C];
	s0 =	simm.s32 @p1 $0x1  }
0x15: {  	[smem:$0x3FB9] =	sst s0;
	s0 =	simm.s32 @!p2 $0x0  }
0x16: {  	s3 =	sld [smem:$0x3FDB];
	s0 =	simm.s32 @p2 $0x1  }
0x17: {  	s4 =	simm.s32 $0x1BF5;
	[smem:$0x3FBB] =	sst s0  }
0x18: {  	s0 =	sld [smem:$0x3F9E];
	_ =	swait.ge [sflag:s4], $0x0  }
0x19: {  	s7 =	sld [smem:$0x3F9F]  }
0x1a: {  	s8 =	sadd.s32 $0xFFFFE003, lr  }
0x1b: {  	s9 =	sadd.s32 $0xFFFFFEF7, lr;
	s5 =	simm.s32 $0xFFFFFFFF;
	p2 =	slt.u32 s8, $0xFFFFF086  }
0x1c: {  	p1 =	slt.u32 s9, $0xF7A;
	s5 =	simm.s32 @!p2 $0x0  }
0x1d: {  	s5 =	simm.s32 @p1 $0x1;
	p0 =	seq.s32 s7, s2  }
0x1e: {  	s7 =	smul.u32 @!p0 $0xF7A, s2;
	p2 =	seq.s32 @!p0 s5, $0x0  }
0x1f: {  	s9 =	smul.u32 $0xF7A, s1;
	s8 =	simm.s32 @!p0 $0x1BF5;
	p2 =	por !p2, p0  }
0x20: {  	[sflag:s8] =	ssyncset.s32 @!p0 $0xFFFFF086;
	s6 =	sadd.s32 @!p0 s3, s7;
	s7 =	simm.s32 @!p0 $0x108  }
0x21: {  	s3 =	sadd.s32 s3, s9;
	s6 =	sadd.s32 @!p0 $0x88, s6;
	s7 =	simm.s32 @p2 $0x1082  }
0x22: {  	[simem:s7], [sflag:s8] =	dma.local @!p0 [hbm:s6], $0xF7A  }
0x23: {  	s9 =	sor.u32 $0xD0000000, s2;
	s6 =	simm.s32 $0x108;
	_ =	swait.ge @!p0 [sflag:s8], $0x0  }
0x24: {  	s3 =	sadd.s32 $0x88, s3;
	s6 =	simm.s32 @!p1 $0x1082;
	[sflag:s4] =	ssyncset.s32 $0xFFFFF086  }
0x25: {  	[simem:s6], [sflag:s4] =	dma.local [hbm:s3], $0xF7A  }
0x26: {  	[smem:$0x3F9F] =	sst s1;
	(tag) =	ssettag s2;
	_ =	strace s9  }
0x27: {  	s1 =	sld [smem:$0x3FAF]  }
0x28: {  	s2 =	sld [smem:$0x3FB0]  }
0x29: {  	s4 =	sld [smem:$0x3FB2]  }
0x2a: {  	p0 =	seq.s32 s5, $0x0;
	s5 =	sld [smem:$0x3FB3]  }
0x2b: {  	s6 =	sld [smem:$0x3FB4]  }
0x2c: {  	s7 =	sld [smem:$0x3FB5]  }
0x2d: {  	s3 =	simm.s32 $0x108;
	s8 =	sld [smem:$0x3FB6]  }
0x2e: {  	s3 =	simm.s32 @!p0 $0x1082;
	s9 =	sld [smem:$0x3FB7]  }
0x2f: {  	lr =	sadd.s32 s0, s3;
	s0 =	sld [smem:$0x3FAE]  }
0x30: {  	s3 =	sld [smem:$0x3FB1]  }
0x31: {  	[smem:$0x3FBA] =	sst s10  }
0x32: {  	s10 =	sld [smem:$0x3FB8];
	_ =	sdelay $0x3  }
0x33: {  	p0 =	seq.s32 s10, $0x1;
	s10 =	sld [smem:$0x3FBA];
	_ =	sdelay $0x3  }
0x34: {  	[smem:$0x3FBA] =	sst s10  }
0x35: {  	s10 =	sld [smem:$0x3FB9];
	_ =	sdelay $0x3  }
0x36: {  	p1 =	seq.s32 s10, $0x1;
	s10 =	sld [smem:$0x3FBA];
	_ =	sdelay $0x3  }
0x37: {  	[smem:$0x3FBA] =	sst s10  }
0x38: {  	s10 =	sld [smem:$0x3FBB]  }
0x39: {  	_ = 	snop;
	(pc) =	sbr.ind lr, $3  }
0x3a: {  	_ = 	snop  }
0x3b: {  	_ = 	snop  }
0x3c: {  	p2 =	seq.s32 s10, $0x1;
	s10 =	sld [smem:$0x3FBA]  }
0x3d: {  	_ =	shalt  }
0x3e: {  	_ =	shalt  }
0x3f: {  	_ =	shalt  }
0x40: {  	_ =	shalt  }
0x41: {  	_ =	shalt  }
0x42: {  	_ =	shalt  }
0x43: {  	_ =	shalt  }
0x44: {  	_ =	shalt  }
0x45: {  	_ =	shalt  }
0x46: {  	_ =	shalt  }
0x47: {  	_ =	shalt  }
0x48: {  	_ =	shalt  }
0x49: {  	_ =	shalt  }
0x4a: {  	_ =	shalt  }
0x4b: {  	_ =	shalt  }
0x4c: {  	_ =	shalt  }
0x4d: {  	_ =	shalt  }
0x4e: {  	_ =	shalt  }
0x4f: {  	_ =	shalt  }
0x50: {  	_ =	shalt  }
0x51: {  	_ =	shalt  }
0x52: {  	_ =	shalt  }
0x53: {  	_ =	shalt  }
0x54: {  	_ =	shalt  }
0x55: {  	_ =	shalt  }
0x56: {  	_ =	shalt  }
0x57: {  	_ =	shalt  }
0x58: {  	_ =	shalt  }
0x59: {  	_ =	shalt  }
0x5a: {  	_ =	shalt  }
0x5b: {  	_ =	shalt  }
0x5c: {  	_ =	shalt  }
0x5d: {  	_ =	shalt  }
0x5e: {  	_ =	shalt  }
0x5f: {  	_ =	shalt  }
0x60: {  	_ =	shalt  }
0x61: {  	_ =	shalt  }
0x62: {  	_ =	shalt  }
0x63: {  	_ =	shalt  }
0x64: {  	_ =	shalt  }
0x65: {  	_ =	shalt  }
0x66: {  	_ =	shalt  }
0x67: {  	_ =	shalt  }
0x68: {  	_ =	shalt  }
0x69: {  	_ =	shalt  }
0x6a: {  	_ =	shalt  }
0x6b: {  	_ =	shalt  }
0x6c: {  	_ =	shalt  }
0x6d: {  	_ =	shalt  }
0x6e: {  	_ =	shalt  }
0x6f: {  	_ =	shalt  }
0x70: {  	_ =	shalt  }
0x71: {  	_ =	shalt  }
0x72: {  	_ =	shalt  }
0x73: {  	_ =	shalt  }
0x74: {  	_ =	shalt  }
0x75: {  	_ =	shalt  }
0x76: {  	_ =	shalt  }
0x77: {  	_ =	shalt  }
0x78: {  	_ =	shalt  }
0x79: {  	_ =	shalt  }
0x7a: {  	_ =	shalt  }
0x7b: {  	_ =	shalt  }
0x7c: {  	_ =	shalt  }
0x7d: {  	_ =	shalt  }
0x7e: {  	_ =	shalt  }
0x7f: {  	_ =	shalt  }
0x80: {  	_ =	shalt  }
0x81: {  	_ =	shalt  }
0x82: {  	_ =	shalt  }
0x83: {  	_ =	shalt  }
0x84: {  	_ =	shalt  }
0x85: {  	_ =	shalt  }
0x86: {  	_ =	shalt  }
0x87: {  	_ =	shalt  }
.Lfunc_end0:
.L_simem_size_0:
called_computation_lowered:
.L_overlay_start_0:
0x88: {  	s2 =	sld [smem:$0x3FD9]  }
0x89: {  	s3 =	sld [smem:$0x3FFE];
	_ =	sdelay $0x1  }
0x8a: {  	s1 =	srdreg.scid  }
0x8b: {  	s0 =	sand.u32 $0x1, s1  }
0x8c: {  	s16 =	sshll.u32 s0, $0xA;
	s2 =	sadd.s32 s3, s2  }
0x8d: {  	s2 =	sadd.s32 s2, s16  }
0x8e: {  	[smem:$0x3FC6] =	sst s2  }
0x8f: {  	_ = 	snop  }
0x90: {  	(tm) =	ssettm $0x1  }
0x91: {  	s17 =	sld [smem:$0x3FFB];
	_ =	sdelay $0x3  }
0x92: {  	_ =	strace s17  }
0x93: {  	s2 =	sld [smem:$0x3FFC];
	_ =	sdelay $0x3  }
0x94: {  	_ =	strace s2  }
0x95: {  	s2 =	sld [smem:$0x3FFD];
	_ =	sdelay $0x3  }
0x96: {  	_ =	strace s2  }
0x97: {  	_ =	strace $0x8FFFFFFF  }
0x98: {  	s18 =	sld [smem:$0x3FDB];
	_ =	sdelay $0x1  }
0x99: {  	s19 =	simm.s32 $_scs_section_size  }
0x9a: {  	s4 =	simm.s32 $_size__tile_overlayer_lowered;
	s5 =	simm.s32 $_tile_overlayer_lowered  }
0x9b: {  	s22 =	simm.s32 $0x1BFF;
	s21 =	sshll.u32 s5, $0x1;
	s2 =	sadd.s32 s19, s18  }
0x9c: {  	s6 =	simm.s32 $0x0;
	s20 =	sshll.u32 s4, $0x1;
	s4 =	sadd.s32 s21, s2  }
0x9d: {  	[timem:s6], [sflag:s22] =	dma.local [hbm:s4], s20  }
0x9e: {  	_ =	swait.ge [sflag:s22], s20  }
0x9f: {  	s3 =	ssub.s32 $0x0, s20;
	[sflag:s22] =	ssyncset.done $0x0  }
0xa0: {  	[sflag:s22] =	ssyncadd.s32 s3;
	_ =	sdelay $0x1  }
0xa1: {  	s23 =	simm.s32 $0x1B8B  }
0xa2: {  	_ =	swait.ge [sflag:s23], $0x1  }
0xa3: {  	[sflag:s23] =	ssyncset.done $0x0  }
0xa4: {  	s25 =	simm.s32 $0x1B8E;
	s24 =	sld [smem:$0x3FFE];
	[sflag:s23] =	ssyncadd.s32 $0xFFFFFFFF  }
0xa5: {  	s26 =	simm.s32 $execute0_lowered;
	[smem:$0x3FD2] =	sst s25  }
0xa6: {  	s4 =	sshll.u32 s26, $0x1;
	_ =	strace $0x80000046;
	[dreg:$0x1] =	wrdreg $0xFFFFFFFF  }
0xa7: {  	s28 =	simm.s32 $_size_execute0_lowered;
	s2 =	sadd.s32 s2, s4;
	[dreg:$0x0] =	wrdreg $0x0  }
0xa8: {  	s4 =	sshll.u32 s28, $0x1;
	[dreg:$0x2] =	wrdreg s2  }
0xa9: {  	[dreg:$0x3] =	wrdreg s4  }
0xaa: {  	[dreg:$0x4] =	wrdreg $0xC0  }
0xab: {  	_ =	task [dreg:s6], $0x5FFFF  }
0xac: {  	[dreg:$0x1] =	wrdreg $0xFFFFFFFF  }
0xad: {  	[dreg:$0x0] =	wrdreg $0x60  }
0xae: {  	[dreg:$0x2] =	wrdreg s24  }
0xaf: {  	[dreg:$0x3] =	wrdreg $0x9  }
0xb0: {  	_ =	task.clear_ibuf [dreg:s6], $0x4FFFF;
	_ =	strace $0x90000046  }
0xb1: {  	s29 =	simm.s32 $0x9;
	_ =	strace $0x80000048  }
0xb2: {  	_ =	swait.ge [sflag:s29], $0x1  }
0xb3: {  	[sflag:s29] =	ssyncadd.s32 $0xFFFFFFFF  }
0xb4: {  	_ =	strace $0x90000048  }
0xb5: {  	_ =	sfence  }
0xb6: {  	s30 =	sld [smem:$0x0];
	_ =	sdelay $0x2  }
0xb7: {  	s31 =	sshll.u32 s1, $0xD;
	s1 =	sshrl.u32 s1, $0x2  }
0xb8: {  	s3 =	sand.u32 $0x4000, s31;
	s1 =	sadd.s32 s1, s30  }
0xb9: {  	s0 =	sor.u32 s3, s0;
	s1 =	sshll.u32 s1, $0x11  }
0xba: {  	s0 =	sor.u32 s1, s0  }
0xbb: {  	s0 =	sadd.s32 $0x8F2B, s0  }
0xbc: {  	[sflag:s0] =	ssyncadd.remote.s32 $0x1  }
0xbd: {  	_ =	sfence.sel $0xFFFF  }
0xbe: {  	[dreg:$0x0] =	wrdreg $0xFFFFFFFF;
	(pc) =	sbr.abs _section_cstart, $3  }
0xbf: {  	[dreg:$0x1] =	wrdreg $0xFFFFFFFF  }
0xc0: {  	_ =	task.clear_ibuf [dreg:s6], $0x2FFFF;
	_ =	strace $0x9FFFFFFF  }
0xc1: {  	(tm) =	ssettm $0x7FFFFFFF  }
tec
execute0_lowered:
.L_overlay_start_1:
0x0: {  	(tag) =	ssettag $0x1  }
0x1: {  	s5 =	rddreg [dreg:$0x0]  }
0x2: {  	v0 =	vimm.s32 $0xFEDCBA98;
	s0 =	rddreg [dreg:$0x1];
	v2 =	vimm.s32 $0x76543210;
	v3 =	vimm.s32 $0xBA98FEDC  }
0x3: {  	s2 =	simm.s32 $0x0;
	s3 =	srdreg.scid;
	s1 =	stileid.u32;
	v4 =	vimm.s32 $0x32107654;
	v5 =	vimm.s32 $0xDCFE98BA;
	v6 =	vimm.s32 $0x54761032  }
0x4: {  	v7 =	vimm.s32 $0xEFCDAB89;
	v8 =	vimm.s32 $0x67452301;
	s12 =	simm.s32 $0x1;
	s13 =	simm.s32 $0x80;
	s14 =	simm.s32 $0x400  }
0x5: {  	vm0 =	vcmask $0x3F30;
	s15 =	simm.s32 $0x5000;
	vm1 =	vmmov $0xfff;
	s16 =	simm.s32 $0x5100;
	s17 =	simm.s32 $0x5880  }
0x6: {  	s18 =	simm.s32 $0x6000;
	v12 =	vimm.f32 $1.000000000e+00;
	s19 =	simm.s32 $0x6780;
	v1 =	vunpack.c.l.s4.s8 v0;
	v0 =	vimm.f32 $0.0e+00;
	[smem:$0x7FF] =	sst s2  }
0x7: {  	s6 =	sand.u32 $0x1, s3;
	s28 =	sshll.u32 s1, $0x1;
	v2 =	vunpack.c.l.s4.s8 v2;
	s7 =	sshrl.u32 s1, $0x2;
	v3 =	vunpack.c.l.s4.s8 v3;
	v4 =	vunpack.c.l.s4.s8 v4  }
0x8: {  	s3 =	sadd.s32 $0x1200, s5;
	v5 =	vunpack.c.l.s4.s8 v5;
	v6 =	vunpack.c.l.s4.s8 v6;
	v7 =	vunpack.c.l.s4.s8 v7;
	_ =	strace $0x80000047;
	s4 =	sor.u32 s6, s28  }
0x9: {  	v8 =	vunpack.c.l.s4.s8 v8;
	s9 =	smul.u32 $0x3C00, s7;
	v1 =	vunpack.c.0.s8.s32 v1;
	s8 =	sshll.u32 s4, $0x7;
	s4 =	sadd.s32 $0x113, s4;
	v3 =	vunpack.c.0.s8.s32 v3  }
0xa: {  	s7 =	sshll.u32 s7, $0xA;
	v4 =	vunpack.c.0.s8.s32 v4;
	v5 =	vunpack.c.0.s8.s32 v5;
	v6 =	vunpack.c.0.s8.s32 v6;
	s8 =	sand.u32 $0x380, s8;
	s10 =	sshll.u32 s4, $0x4  }
0xb: {  	s11 =	ssub.s32 $0x2, s6;
	v2 =	vunpack.c.0.s8.s32 v2;
	v7 =	vunpack.c.0.s8.s32 v7;
	v8 =	vunpack.c.0.s8.s32 v8;
	s9 =	sor.u32 s9, s8;
	s10 =	sand.u32 $0x70, s10  }
0xc: {  	s7 =	sor.u32 s7, s8;
	v3 =	vcombine.low v4, v3;
	v4 =	vcombine.low v6, v5;
	v6 =	vimm.s32 $0x63626160;
	s9 =	sshrl.u32 s9, $0x3;
	s29 =	sadd.s32 s10, s5  }
.Ltmp0:
0xd: {  	v1 =	vand.u32 $0xF, v1;
	v5 =	vcombine.low v8, v7;
	s7 =	sshrl.u32 s7, $0x3;
	v6 =	vunpack.c.0.s8.s32 v6;
	s9 =	sadd.s32 s9, s5;
	(pc) =	sbr.rel .LBB2_1-.Ltmp0, $4  }
0xe: {  	v1 =	vcombine.low v1, v2;
	s30 =	sadd.s32 s7, s5;
	s5 =	sadd.s32 $0x187C00, s29;
	v2 =	vand.u32 $0xF, v3;
	v3 =	vand.u32 $0xF, v4;
	s6 =	sadd.s32 $0x18CC00, s9  }
0xf: {  	s31 =	sshrl.u32 s11, $0x1;
	v4 =	vand.u32 $0xF, v5;
	v5 =	vlaneseq.u32;
	s7 =	sadd.s32 $0x18EA00, s9;
	s8 =	sadd.s32 $0x190800, s9;
	v6 =	vnsel vm0, $0x3E8, v6  }
0x10: {  	s20 =	simm.s32 $0x6800;
	s11 =	ssub.s32 s11, s31;
	s9 =	sadd.s32 $0x192600, s30;
	v7 =	vor.u32 $0x50, v5;
	v8 =	vor.u32 $0x40, v5;
	v9 =	vor.u32 $0x30, v5  }
0x11: {  	s21 =	simm.s32 $0x0;
	s11 =	smax.u32 s11, $0x1;
	s10 =	sadd.s32 $0x192800, s30;
	v10 =	vor.u32 $0x20, v5;
	v11 =	vor.u32 $0x10, v5;
	v13 =	vadd.s32 $0x54, v5  }
.LBB2_8:
0x12: {  	[hbm4b:s6+s13] =	stream.strided.scatter [tilespmem:s16], [sflag:$0x1], $0x780, s14, s13, $0x38;
	[tilespmem:$0x6880] =	vst v63  }
0x13: {  	_ =	swait.ge [sflag:s12], $0x780  }
0x14: {  	[sflag:s12] =	ssyncset.done $0x0  }
0x15: {  	[sflag:s12] =	ssyncadd.s32 $0xFFFFF880  }
0x16: {  	[hbm4b:s7+s13] =	stream.strided.scatter [tilespmem:s17], [sflag:$0x1], $0x780, s14, s13, $0x38;
	[tilespmem:$0x6880] =	vst v63  }
0x17: {  	_ =	swait.ge [sflag:s12], $0x780  }
0x18: {  	[sflag:s12] =	ssyncset.done $0x0  }
0x19: {  	[sflag:s12] =	ssyncadd.s32 $0xFFFFF880  }
0x1a: {  	[hbm4b:s8+s13] =	stream.strided.scatter [tilespmem:s18], [sflag:$0x1], $0x780, s14, s13, $0x38;
	[tilespmem:$0x6880] =	vst v63  }
0x1b: {  	_ =	swait.ge [sflag:s12], $0x780  }
0x1c: {  	[sflag:s12] =	ssyncset.done $0x0  }
0x1d: {  	[sflag:s12] =	ssyncadd.s32 $0xFFFFF880  }
0x1e: {  	[hbm4b:s9+s2] =	stream.linear.scatter [tilespmem:s19], [sflag:$0x1], $0x80, $0x38;
	[tilespmem:$0x6880] =	vst v63  }
0x1f: {  	s21 =	sadd.s32 $0x1, s21;
	_ =	swait.ge [sflag:s12], $0x80  }
0x20: {  	p0 =	sne.s32 s21, s11;
	[sflag:s12] =	ssyncset.done $0x0  }
.Ltmp1:
0x21: {  	[sflag:s12] =	ssyncadd.s32 $0xFFFFFF80;
	(pc) =	sbr.rel @!p0 .LBB2_9-.Ltmp1, $4  }
0x22: {  	[hbm4b:s10+s2] =	stream.linear.scatter [tilespmem:s20], [sflag:$0x1], $0x80, $0x38;
	[tilespmem:$0x6880] =	vst v63  }
0x23: {  	_ =	swait.ge [sflag:s12], $0x80  }
0x24: {  	[sflag:s12] =	ssyncset.done $0x0  }
0x25: {  	[sflag:s12] =	ssyncadd.s32 $0xFFFFFF80  }
.LBB2_1:
0x26: {  	s22 =	simm.s32 $0x40;
	s23 =	simm.s32 $0x0  }
.LBB2_2:
0x27: {  	p0 =	sne.s32 s22, $0x1DC0;
	[tilespmem:s23+$0x6000] =	vst v0;
	s24 =	smov.u32 s22;
	s22 =	sadd.s32 $0x40, s22  }
.Ltmp2:
0x28: {  	[tilespmem:s23+$0x5100] =	vst v0;
	(pc) =	sbr.rel @p0 .LBB2_2-.Ltmp2, $2  }
0x29: {  	[tilespmem:s23+$0x5880] =	vst v0;
	_ =	sdelay $0x2  }
0x2a: {  	s23 =	sshra.s32 s24, $0x2  }
0x2b: {  	[tilespmem:s23+$0x6000] =	vst v0  }
0x2c: {  	[tilespmem:s23+$0x5100] =	vst v0  }
0x2d: {  	[tilespmem:s23+$0x5880] =	vst v0  }
0x2e: {  	[tilespmem:$0x6780] =	vst v0  }
0x2f: {  	[tilespmem:$0x6800] =	vst v0  }
0x30: {  	[tilespmem:$0x6790] =	vst v0  }
0x31: {  	[tilespmem:$0x6810] =	vst v0  }
0x32: {  	[tilespmem:$0x67A0] =	vst v0  }
0x33: {  	[tilespmem:$0x6820] =	vst v0  }
0x34: {  	[tilespmem:$0x67B0] =	vst v0  }
0x35: {  	[tilespmem:$0x6830] =	vst v0  }
0x36: {  	[tilespmem:$0x67C0] =	vst v0  }
0x37: {  	[tilespmem:$0x6840] =	vst v0  }
0x38: {  	[tilespmem:$0x67D0] =	vst v0  }
.Ltmp3:
0x39: {  	[tilespmem:$0x6850] =	vst v0;
	(pc) =	sbr.rel .LBB2_4-.Ltmp3, $4  }
0x3a: {  	[tilespmem:$0x67E0] =	vst v0  }
0x3b: {  	[tilespmem:$0x6860] =	vst v0  }
0x3c: {  	[tilespmem:$0x67F0] =	vst v0  }
0x3d: {  	s22 =	simm.s32 $0x0;
	[tilespmem:$0x6870] =	vst v0  }
.LBB2_7:
0x3e: {  	s22 =	sadd.s32 $0x1, s22  }
0x3f: {  	p0 =	sne.s32 s22, $0xB  }
.Ltmp4:
0x40: {  	_ = 	snop;
	(pc) =	sbr.rel @!p0 .LBB2_8-.Ltmp4, $1  }
0x41: {  	_ =	sdelay $0x3  }
.LBB2_4:
0x42: {  	s23 =	sshll.u32 s22, $0x5  }
0x43: {  	s24 =	sadd.s32 s4, s23  }
0x44: {  	p0 =	sgt.u32 s24, $0x270  }
.Ltmp5:
0x45: {  	_ = 	snop;
	(pc) =	sbr.rel @p0 .LBB2_7-.Ltmp5, $1  }
0x46: {  	_ =	sdelay $0x3  }
0x47: {  	s23 =	smul.u32 $0xA00, s24;
	_ =	sdelay $0x1  }
0x48: {  	s25 =	sadd.s32 s3, s23;
	s23 =	simm.s32 $0x0  }
0x49: {  	[tilespmem:s23], [sflag:$0x1] =	stream.linear.gather [hbm4b:s25+s23], $0x5000, $0x38;
	[tilespmem:$0x6880] =	vst v63  }
0x4a: {  	s31 =	sshll.u32 s24, $0x5;
	_ =	swait.ge [sflag:s12], $0x5000  }
0x4b: {  	s24 =	sand.u32 $0x7F00, s31;
	[sflag:s12] =	ssyncset.done $0x0  }
0x4c: {  	s24 =	sadd.s32 s24, s5;
	[sflag:s12] =	ssyncadd.s32 $0xFFFFB000  }
0x4d: {  	[tilespmem:s15], [sflag:$0x1] =	stream.strided.gather [hbm4b:s24+s13], $0x100, s14, s13, $0x38;
	[tilespmem:$0x6880] =	vst v63  }
0x4e: {  	_ =	swait.ge [sflag:s12], $0x100  }
0x4f: {  	[sflag:s12] =	ssyncset.done $0x0  }
0x50: {  	s24 =	simm.s32 $0x30;
	[sflag:s12] =	ssyncadd.s32 $0xFFFFFF00  }
.LBB2_6:
0x51: {  	v14 =	vld [tilespmem:s24+$0xFFFFFFD0]  }
0x52: {  	v15 =	vld [tilespmem:s24+$0xFFFFFFE0]  }
0x53: {  	v16 =	vld [tilespmem:s24+$0xFFFFFFF0]  }
0x54: {  	v17 =	vld [tilespmem:s24+$0x0]  }
0x55: {  	v18 =	vld [tilespmem:s24+$0x10]  }
0x56: {  	v19 =	vld [tilespmem:s24+$0x20]  }
0x57: {  	v20 =	vld [tilespmem:s24+$0x24];
	v21 =	vmax.f32 v14, v15  }
0x58: {  	v21 =	vmax.f32 v21, v16  }
0x59: {  	v21 =	vmax.f32 v21, v17  }
0x5a: {  	v21 =	vmax.f32 v21, v18  }
0x5b: {  	v21 =	vmax.f32 v21, v19  }
0x5c: {  	v21 =	vmax.f32 v21, v20  }
0x5d: {  	v22 =	vperm.xlane v21, v1;
	_ =	sdelay $0x1  }
0x5e: {  	v21 =	vmax.f32 v21, v22  }
0x5f: {  	v22 =	vperm.xlane v21, v2;
	_ =	sdelay $0x1  }
0x60: {  	v21 =	vmax.f32 v21, v22  }
0x61: {  	v22 =	vperm.xlane v21, v3;
	_ =	sdelay $0x1  }
0x62: {  	v21 =	vmax.f32 v21, v22  }
0x63: {  	v22 =	vperm.xlane v21, v4;
	_ =	sdelay $0x1  }
0x64: {  	v21 =	vmax.f32 v21, v22  }
0x65: {  	v14 =	vsub.f32 v14, v21  }
0x66: {  	v15 =	vsub.f32 v15, v21  }
0x67: {  	v14 =	vmul.f32 $1.442695020e+00, v14  }
0x68: {  	v16 =	vsub.f32 v16, v21;
	v15 =	vmul.f32 $1.442695020e+00, v15  }
0x69: {  	(erf) = vpow2.f32 v14  }
0x6a: {  	v14 =	vmul.f32 $1.442695020e+00, v16;
	(erf) = vpow2.f32 v15;
	v15 =	vsub.f32 v17, v21;
	_ =	sdelay $0x1  }
0x6b: {  	(erf) = vpow2.f32 v14;
	v14 =	vmul.f32 $1.442695020e+00, v15;
	v15 =	vsub.f32 v18, v21;
	_ =	sdelay $0x1  }
0x6c: {  	(erf) = vpow2.f32 v14;
	v14 =	vmul.f32 $1.442695020e+00, v15;
	v15 =	vsub.f32 v19, v21;
	_ =	sdelay $0x1  }
0x6d: {  	v40 =	vsub.f32 v20, v21;
	(erf) = vpow2.f32 v14;
	v14 =	vmul.f32 $1.442695020e+00, v15;
	_ =	sdelay $0x1  }
0x6e: {  	v15 =	vmul.f32 $1.442695020e+00, v40  }
0x6f: {  	v41 =	vpop (erf);
	(erf) = vpow2.f32 v14  }
0x70: {  	v14 =	vpop (erf);
	(erf) = vpow2.f32 v15  }
0x71: {  	v15 =	vadd.f32 v14, v41  }
0x72: {  	v42 =	vpop (erf)  }
0x73: {  	v15 =	vadd.f32 v15, v42  }
0x74: {  	v43 =	vpop (erf)  }
0x75: {  	v15 =	vadd.f32 v15, v43  }
0x76: {  	v44 =	vpop (erf)  }
0x77: {  	v15 =	vadd.f32 v15, v44  }
0x78: {  	v45 =	vpop (erf)  }
0x79: {  	v46 =	vpop (erf);
	v15 =	vadd.f32 v15, v45  }
0x7a: {  	v23 =	vsel vm1, $0x0, v46  }
0x7b: {  	v15 =	vadd.f32 v15, v23;
	_ =	sdelay $0x1  }
0x7c: {  	v23 =	vperm.xlane v15, v1;
	_ =	sdelay $0x1  }
0x7d: {  	v15 =	vadd.f32 v15, v23;
	_ =	sdelay $0x1  }
0x7e: {  	v23 =	vperm.xlane v15, v2;
	_ =	sdelay $0x1  }
0x7f: {  	v15 =	vadd.f32 v15, v23;
	_ =	sdelay $0x1  }
0x80: {  	v23 =	vperm.xlane v15, v3;
	_ =	sdelay $0x1  }
0x81: {  	v15 =	vadd.f32 v15, v23;
	_ =	sdelay $0x1  }
0x82: {  	v23 =	vperm.xlane v15, v4;
	_ =	sdelay $0x1  }
0x83: {  	v15 =	vadd.f32 v15, v23;
	_ =	sdelay $0x1  }
0x84: {  	(erf) = vrcp.f32 v15;
	_ =	sdelay $0x8  }
0x85: {  	v15 =	vpop (erf)  }
0x86: {  	v16 =	vmul.f32 v15, v41  }
0x87: {  	v14 =	vmul.f32 v15, v14;
	v17 =	vmul.f32 v15, v42  }
0x88: {  	v18 =	vmul.f32 v15, v43;
	v19 =	vmul.f32 v15, v44  }
0x89: {  	v20 =	vmul.f32 v15, v45;
	v47 =	vmul.f32 $1.500000000e+01, v16  }
0x8a: {  	v22 =	vmul.f32 v15, v46;
	v24 =	vmul.f32 $1.500000000e+01, v14  }
0x8b: {  	v25 =	vmul.f32 $1.500000000e+01, v17;
	v23 =	vtrunc.f32 v47  }
0x8c: {  	v26 =	vmul.f32 $1.500000000e+01, v18;
	v23 =	vcvt.f32.s32 v23  }
0x8d: {  	v27 =	vmul.f32 $1.500000000e+01, v19;
	v24 =	vtrunc.f32 v24  }
0x8e: {  	v28 =	vmul.f32 $1.500000000e+01, v20;
	v24 =	vcvt.f32.s32 v24;
	vm2 =	vlt.s32 v23, $0xE  }
0x8f: {  	v29 =	vmul.f32 $1.500000000e+01, v22;
	v25 =	vtrunc.f32 v25;
	v23 =	vnsel vm2, $0xE, v23  }
0x90: {  	v25 =	vcvt.f32.s32 v25;
	vm2 =	vlt.s32 v24, $0xE;
	v23 =	vshll.u32 v23, $0x7  }
0x91: {  	v26 =	vtrunc.f32 v26;
	v24 =	vnsel vm2, $0xE, v24;
	v23 =	vor.u32 v5, v23  }
0x92: {  	v26 =	vcvt.f32.s32 v26;
	vm2 =	vlt.s32 v25, $0xE;
	v24 =	vshll.u32 v24, $0x7  }
0x93: {  	v27 =	vtrunc.f32 v27;
	v25 =	vnsel vm2, $0xE, v25;
	v24 =	vor.u32 v11, v24  }
0x94: {  	v27 =	vcvt.f32.s32 v27;
	vm2 =	vlt.s32 v26, $0xE;
	v25 =	vshll.u32 v25, $0x7  }
0x95: {  	v28 =	vtrunc.f32 v28;
	v26 =	vnsel vm2, $0xE, v26;
	v25 =	vor.u32 v10, v25  }
0x96: {  	v28 =	vcvt.f32.s32 v28;
	vm2 =	vlt.s32 v27, $0xE;
	v26 =	vshll.u32 v26, $0x7;
	[tilespmem:v23+s16+$0x0] =	vst.idx.add.f32.msk $0xffff, v12  }
0x97: {  	v50 =	vtrunc.f32 v29;
	v49 =	vnsel vm2, $0xE, v27;
	v48 =	vor.u32 v9, v26;
	[tilespmem:v23+s17+$0x0] =	vst.idx.add.f32.msk $0xffff, v16  }
0x98: {  	vm2 =	vlt.s32 v28, $0xE;
	v27 =	vcvt.f32.s32 v50;
	v26 =	vshll.u32 v49, $0x7;
	[tilespmem:v24+s16+$0x0] =	vst.idx.add.f32.msk $0xffff, v12  }
0x99: {  	v52 =	vnsel vm2, $0xE, v28;
	v51 =	vor.u32 v8, v26;
	[tilespmem:v24+s17+$0x0] =	vst.idx.add.f32.msk $0xffff, v14  }
0x9a: {  	v26 =	vshll.u32 v52, $0x7;
	vm2 =	vlt.s32 v27, $0xE;
	[tilespmem:v25+s16+$0x0] =	vst.idx.add.f32.msk $0xffff, v12  }
0x9b: {  	v53 =	vor.u32 v7, v26;
	v54 =	vnsel vm2, $0xE, v27;
	[tilespmem:v25+s17+$0x0] =	vst.idx.add.f32.msk $0xffff, v17  }
0x9c: {  	v26 =	vshll.u32 v54, $0x7;
	[tilespmem:v48+s16+$0x0] =	vst.idx.add.f32.msk $0xffff, v12  }
0x9d: {  	v55 =	vor.u32 v13, v26;
	[tilespmem:v48+s17+$0x0] =	vst.idx.add.f32.msk $0xffff, v18  }
0x9e: {  	[tilespmem:v51+s16+$0x0] =	vst.idx.add.f32.msk $0xffff, v12  }
0x9f: {  	[tilespmem:v51+s17+$0x0] =	vst.idx.add.f32.msk $0xffff, v19  }
0xa0: {  	[tilespmem:v53+s16+$0x0] =	vst.idx.add.f32.msk $0xffff, v12  }
0xa1: {  	[tilespmem:v53+s17+$0x0] =	vst.idx.add.f32.msk $0xffff, v20  }
0xa2: {  	[tilespmem:v55+s16+$0x0] =	vst.idx.add.f32.msk vm0, v12  }
0xa3: {  	s25 =	smin.u32 s23, $0x90;
	[tilespmem:v55+s17+$0x0] =	vst.idx.add.f32.msk vm0, v22  }
0xa4: {  	v23 =	vld [tilespmem:s25+$0x5000];
	_ =	sdelay $0x2  }
0xa5: {  	s25 =	ssub.s32 s23, s25  }
0xa6: {  	v56 =	vmov s25  }
0xa7: {  	v23 =	vperm.xlane v23, v56;
	_ =	sdelay $0x1  }
0xa8: {  	s31 =	sshll.u32 s23, $0x7;
	v24 =	vand.u32 $0xFFFFFF80, v23  }
0xa9: {  	v57 =	vand.u32 $0x7F, v23;
	v24 =	vadd.s32 s31, v24  }
0xaa: {  	v24 =	vor.u32 v57, v24;
	_ =	sdelay $0x4  }
0xab: {  	v24 =	vld.idx.msk [tilespmem:v24+s2+$0x0], $0xffff;
	_ =	sdelay $0x4  }
0xac: {  	v21 =	vsub.f32 v24, v21;
	_ =	sdelay $0x1  }
0xad: {  	v21 =	vmul.f32 $1.442695020e+00, v21;
	_ =	sdelay $0x1  }
0xae: {  	(erf) = vpow2.f32 v21  }
0xaf: {  	vm2 =	veq.f32 v22, v15  }
0xb0: {  	vm3 =	veq.f32 v20, v15;
	v58 =	vnsel vm2, $0x3E8, v6  }
0xb1: {  	vm2 =	veq.f32 v19, v15;
	v59 =	vsel vm3, v7, v58  }
0xb2: {  	vm3 =	veq.f32 v18, v15;
	v60 =	vsel vm2, v8, v59  }
0xb3: {  	vm2 =	veq.f32 v17, v15;
	v61 =	vsel vm3, v9, v60  }
0xb4: {  	vm3 =	veq.f32 v14, v15;
	v14 =	vsel vm2, v10, v61  }
0xb5: {  	vm2 =	veq.f32 v16, v15;
	v14 =	vsel vm3, v11, v14  }
0xb6: {  	v14 =	vsel vm2, v5, v14  }
0xb7: {  	v62 =	vperm.xlane v14, v1;
	v63 =	vpop (erf)  }
0xb8: {  	v15 =	vmul.f32 v63, v15  }
0xb9: {  	vm2 =	vlt.s32 v14, v62  }
0xba: {  	v14 =	vsel vm2, v14, v62;
	v15 =	vmul.f32 $1.500000000e+01, v15  }
0xbb: {  	v16 =	vperm.xlane v14, v2  }
0xbc: {  	v15 =	vtrunc.f32 v15  }
0xbd: {  	vm2 =	vlt.s32 v14, v16;
	v15 =	vcvt.f32.s32 v15  }
0xbe: {  	v14 =	vsel vm2, v14, v16  }
0xbf: {  	v16 =	vperm.xlane v14, v3;
	vm2 =	vlt.s32 v15, $0xE  }
0xc0: {  	v15 =	vnsel vm2, $0xE, v15  }
0xc1: {  	vm2 =	vlt.s32 v14, v16;
	v15 =	vshll.u32 v15, $0x7  }
0xc2: {  	v14 =	vsel vm2, v14, v16;
	v15 =	vadd.s32 v23, v15  }
0xc3: {  	v16 =	vperm.xlane v14, v4  }
0xc4: {  	p0 =	sne.s32 s23, $0x9F  }
.Ltmp6:
0xc5: {  	vm2 =	vlt.s32 v14, v16;
	(pc) =	sbr.rel @p0 .LBB2_6-.Ltmp6, $4  }
0xc6: {  	v14 =	vsel vm2, v14, v16  }
0xc7: {  	vm2 =	veq.s32 v14, v23;
	[tilespmem:v15+s18+$0x0] =	vst.idx.add.f32.msk $0x1, v12  }
0xc8: {  	v14 =	vsel vm2, $0x3F800000, v0;
	[tilespmem:v23+s19+$0x0] =	vst.idx.add.f32.msk $0x1, v12  }
0xc9: {  	s24 =	sadd.s32 $0x80, s24;
	s23 =	sadd.s32 $0x1, s23;
	[tilespmem:v23+s20+$0x0] =	vst.idx.add.f32.msk $0x1, v14  }
.Ltmp7:
0xca: {  	_ = 	snop;
	(pc) =	sbr.rel .LBB2_7-.Ltmp7, $1  }
0xcb: {  	_ =	sdelay $0x3  }
.LBB2_9:
0xcc: {  	_ =	sfence.sel $0x180000  }
0xcd: {  	[bflag:$0x0] =	sbarrier.arrive $0xFFFF  }
0xce: {  	p0 =	sne.s32 s1, $0x0;
	_ =	strace $0x90000047  }
0xcf: {  	s0 =	sadd.s32 @!p0 $0x100000, s0;
	[bflag:$0x2] =	sbarrier.arrive $0xFFFF  }
0xd0: {  	[sflag:s0] =	ssyncadd.tile.s32 @!p0 $0x1;
	_ =	shalt  }
.Lfunc_end2:
_tile_overlayer_lowered:
.L_overlay_start_2:
0xd1: {  	(tag) =	ssettag $0x2  }
0xd2: {  	s0 =	rddreg [dreg:$0x0];
	s2 =	stileid.u32  }
0xd3: {  	s1 =	rddreg [dreg:$0x1];
	p0 =	sne.s32 s2, $0x0  }
0xd4: {  	s3 =	rddreg [dreg:$0x2];
	[bflag:$0x3] =	sbarrier.arrive $0xFFFF;
	s2 =	simm.s32 @!p0 $0x1C01  }
0xd5: {  	[timem:s3], [sflag:s2] =	dma.local @!p0 [hbm:s0], s1  }
0xd6: {  	s0 =	simm.s32 @!p0 $0x1  }
0xd7: {  	_ =	swait.ge @!p0 [sflag:s0], s1  }
0xd8: {  	s1 =	ssub.s32 @!p0 $0x0, s1;
	[sflag:s0] =	ssyncset.done @!p0 $0x0  }
0xd9: {  	[sflag:s0] =	ssyncadd.s32 @!p0 s1  }
0xda: {  	[bflag:$0x3] =	sbarrier.arrive $0xFFFF  }
0xdb: {  	_ =	shalt  }

</sc_bundles>
